<compile_context>
chip_gen: v7x
topology: tpu7x:2x2x1
jax: 0.10.2.dev20260603
libtpu: 0.0.44.dev20260713+nightly
codegen_flags: <defaults>
</compile_context>

<pallas_src>
import functools

import numpy as np
import jax
import jax.numpy as jnp
from jax import lax
from jax.experimental import pallas as pl
from jax.experimental.pallas import tpu as pltpu
from jax.experimental.pallas import tpu_sc as plsc

_B, _CT, _K, _L = 64, 7, 14, 8192
_NSEG = 63
_NP = 64
_S = 129
_NREF = 4
_NCH = _CT + _K


def _segments(x, c):
    xr = x.reshape(c, 64, 128)
    hi = jnp.concatenate([xr[:, 1:, :], jnp.zeros((c, 1, 128), jnp.float32)],
                         axis=1)
    sg = jnp.concatenate([xr, hi], axis=-1)
    n_id = lax.broadcasted_iota(jnp.int32, (c, _NP, 256), 1)
    sg = jnp.where(n_id < _NSEG, sg, 0.0)
    return sg.reshape(c * _NP, 256)


def _seg_kernel(t_ref, d_ref, w_ref, o_ref):
    st = _segments(t_ref[0], _CT)
    sd = _segments(d_ref[0], _K)
    sall = jnp.concatenate([st, sd], axis=0)
    o_ref[0] = sall * w_ref[...]


def _score_kernel(ltr_ref, lti_ref, rdr_ref, rdi_ref, idx_ref):
    b = pl.program_id(0)
    ar = ltr_ref[0]
    ai = lti_ref[0]
    br = rdr_ref[0]
    bi = rdi_ref[0]

    dims = (((1,), (1,)), ((2,), (2,)))
    dot = functools.partial(lax.dot_general, dimension_numbers=dims,
                            preferred_element_type=jnp.float32)
    k1 = dot(ar, br + bi)
    k2 = dot((-ai) - ar, br)
    k3 = dot(ar - ai, bi)
    p_re = k1 - k3
    p_im = k1 + k2

    sxx = jnp.sum(ar * ar + ai * ai, axis=1).T
    syy = jnp.sum(br * br + bi * bi, axis=1).T

    eps = jnp.float32(1e-10 * _NSEG * _NSEG)
    den = sxx[:, :, None] * syy[:, None, :] + eps
    coh = (p_re * p_re + p_im * p_im) / den
    scores = jnp.sum(coh, axis=0)

    kio = lax.broadcasted_iota(jnp.int32, (_CT, _K), 1)
    sc = scores
    picks = []
    for _ in range(_NREF):
        m = jnp.max(sc, axis=1, keepdims=True)
        pick = jnp.min(jnp.where(sc == m, kio, 127), axis=1, keepdims=True)
        picks.append(pick)
        sc = jnp.where(kio == pick, -jnp.inf, sc)
    cols = []
    for r in range(_NREF):
        g = 2 * (picks[r] + _K * b)
        cols.append(g)
        cols.append(g + 1)
    idx_ref[0] = jnp.concatenate(cols, axis=1)


def _topk_halfrow_indices(target_series, TS_database):
    window = 0.5 * (1.0 - jnp.cos(
        2.0 * jnp.pi * jnp.arange(256, dtype=jnp.float32) / 256))
    tw = pl.pallas_call(
        _seg_kernel,
        grid=(_B,),
        in_specs=[
            pl.BlockSpec((1, _CT, _L), lambda b: (b, 0, 0)),
            pl.BlockSpec((1, _K, _L), lambda b: (b, 0, 0)),
            pl.BlockSpec((1, 256), lambda b: (0, 0)),
        ],
        out_specs=pl.BlockSpec((1, _NCH * _NP, 256), lambda b: (b, 0, 0)),
        out_shape=jax.ShapeDtypeStruct((_B, _NCH * _NP, 256), jnp.float32),
    )(target_series, TS_database, window.reshape(1, 256))

    ft = jnp.fft.rfft(tw, axis=-1)
    fr = jnp.real(ft)
    fi = jnp.imag(ft)

    ltr = fr[:, : _CT * _NP, :].reshape(_B, _CT, _NP, _S)
    lti = fi[:, : _CT * _NP, :].reshape(_B, _CT, _NP, _S)
    rdr = fr[:, _CT * _NP :, :].reshape(_B, _K, _NP, _S)
    rdi = fi[:, _CT * _NP :, :].reshape(_B, _K, _NP, _S)

    return pl.pallas_call(
        _score_kernel,
        grid=(_B,),
        in_specs=[
            pl.BlockSpec((1, _CT, _NP, _S), lambda b: (b, 0, 0, 0)),
            pl.BlockSpec((1, _CT, _NP, _S), lambda b: (b, 0, 0, 0)),
            pl.BlockSpec((1, _K, _NP, _S), lambda b: (b, 0, 0, 0)),
            pl.BlockSpec((1, _K, _NP, _S), lambda b: (b, 0, 0, 0)),
        ],
        out_specs=pl.BlockSpec((1, _CT, _NREF * 2), lambda b: (b, 0, 0)),
        out_shape=jax.ShapeDtypeStruct((_B, _CT, _NREF * 2), jnp.int32),
    )(ltr, lti, rdr, rdi)


_HR = _L // 2
_NROWS = _B * _CT * _NREF * 2
_NW = 32
_PERW = _NROWS // _NW
_CHUNK = 8
_NCHUNK = _PERW // _CHUNK


@functools.partial(
    pl.kernel,
    mesh=plsc.VectorSubcoreMesh(core_axis_name="c", subcore_axis_name="s"),
    out_type=jax.ShapeDtypeStruct((_NROWS, _HR), jnp.float32),
    scratch_types=[
        pltpu.VMEM((_PERW,), jnp.int32),
        pltpu.VMEM((2, _CHUNK, _HR), jnp.float32),
        pltpu.SemaphoreType.DMA,
        pltpu.SemaphoreType.DMA,
    ],
)
def _sc_gather(table_hbm, idx_hbm, out_hbm, idx_v, buf_v, sem0, sem1):
    wid = lax.axis_index("s") * 2 + lax.axis_index("c")
    base = wid * _PERW
    pltpu.sync_copy(idx_hbm.at[pl.ds(base, _PERW)], idx_v)
    sems = (sem0, sem1)

    def start(g):
        return pltpu.async_copy(
            table_hbm.at[idx_v.at[pl.ds(g * _CHUNK, _CHUNK)]],
            buf_v.at[g % 2], sems[g % 2])

    pending = start(0)
    for g in range(_NCHUNK):
        pending.wait()
        if g + 1 < _NCHUNK:
            pending = start(g + 1)
        pltpu.sync_copy(buf_v.at[g % 2],
                        out_hbm.at[pl.ds(base + g * _CHUNK, _CHUNK)])


def kernel(target_series, TS_database):
    gidx = _topk_halfrow_indices(target_series, TS_database)
    gidx = gidx.reshape(_NROWS)
    table = TS_database.reshape(_B * _K * 2, _HR)
    rows = _sc_gather(table, gidx)
    return rows.reshape(_B, _CT, _NREF, _L)

# --- scband reference (transcript-rebuilt; emitter-appended) ---
"""Pipeline reference for scband-ts-coher-analysis-7696581395000 (READ-ONLY COPY).

The authoritative reference and input builder live on the scoring server;
editing this copy changes nothing except your own understanding.
"""

import jax, jax.numpy as jnp
import numpy as np

NPERSEG = 256
NREF = 4


def _unfold(x, size, step):
    # mimic torch.Tensor.unfold along the last axis -> [..., n_windows, size]
    L = x.shape[-1]
    n = (L - size) // step + 1
    starts = np.arange(n) * step
    idx = starts[:, None] + np.arange(size)
    return x[..., idx]


def setup_inputs(seed: int = 0) -> dict:
    key = jax.random.key(seed)
    k1, k2 = jax.random.split(key)
    target_series = jax.random.normal(k1, (64, 7, 8192), dtype=jnp.float32)
    TS_database = jax.random.normal(k2, (64, 14, 8192), dtype=jnp.float32)
    return {"target_series": target_series, "TS_database": TS_database}


def reference(target_series, TS_database):
    nperseg = NPERSEG
    n_overlap = nperseg // 2
    step = nperseg - n_overlap
    B, C_T, L = target_series.shape
    K = TS_database.shape[1]
    nseg = (L - nperseg) // step + 1
    # faithful to torch: [:, :nseg] slices the channel dim of target (no-op when nseg >= C_T)
    target_seg = _unfold(target_series, nperseg, step)[:, :nseg]      # [B, C_T, nseg, nperseg]
    database_seg = _unfold(TS_database, nperseg, step)[..., :nseg, :]  # [B, K, nseg, nperseg]
    # torch.hann_window (periodic=True)
    window = 0.5 * (1.0 - jnp.cos(2.0 * jnp.pi * jnp.arange(nperseg, dtype=jnp.float32) / nperseg))
    tw = target_seg * window
    dw = database_seg * window
    fft_target = jnp.fft.rfft(tw, axis=-1)    # [B, C_T, nseg, S]
    fft_database = jnp.fft.rfft(dw, axis=-1)  # [B, K, nseg, S]
    # einsum('bcns,bkns->bckns', conj(t), d).mean(dim=3)  == contraction over n / nseg
    Pxy = jnp.einsum('bcns,bkns->bcks', jnp.conj(fft_target), fft_database) / nseg
    Pxx = (jnp.abs(fft_target) ** 2).mean(axis=2)    # [B, C_T, S]
    Pyy = (jnp.abs(fft_database) ** 2).mean(axis=2)  # [B, K, S]
    coherence = jnp.abs(Pxy) ** 2 / (Pxx[:, :, None, :] * Pyy[:, None, :, :] + 1e-10)
    scores = coherence.mean(axis=-1)  # [B, C_T, K]
    _, topk_indices = jax.lax.top_k(scores, NREF)  # [B, C_T, NREF]
    db_exp = jnp.broadcast_to(TS_database[:, None, :, :], (B, C_T, K, L))
    idx_exp = jnp.broadcast_to(topk_indices[..., None], (B, C_T, NREF, L))
    topk_sequences = jnp.take_along_axis(db_exp, idx_exp, axis=2)  # [B, C_T, NREF, L]
    return topk_sequences

if __name__ == "__main__":
    import jax
    _d = setup_inputs()
    print(jax.jit(kernel)(*tuple(_d.values())))

</pallas_src>

<mosaic_0001>
#map = affine_map<(d0, d1) -> (0, 0)>
#map1 = affine_map<(d0, d1) -> (0)>
module attributes {stable_mosaic.version = 14 : i64} {
  func.func @_sc_gather(%arg0: i32, %arg1: i32, %arg2: memref<1792x4096xf32, #tpu.memory_space<hbm>>, %arg3: memref<3584xi32, #tpu.memory_space<hbm>>, %arg4: memref<3584x4096xf32, #tpu.memory_space<hbm>>, %arg5: memref<112xi32, #tpu.memory_space<vmem>>, %arg6: memref<2x8x4096xf32, #tpu.memory_space<vmem>>, %arg7: memref<!tpu.dma_semaphore, #tpu.memory_space<semaphore_mem>>, %arg8: memref<!tpu.dma_semaphore, #tpu.memory_space<semaphore_mem>>) attributes {dimension_semantics = [#tpu.dimension_semantics<core_parallel>, #tpu.dimension_semantics<subcore_parallel>], iteration_bounds = array<i64: 2, 16>, scalar_prefetch = 0 : i64, scratch_operands = 4 : i64, tpu.core_type = #tpu.core_type<sc_vector_subcore>, window_params = [{transform_indices = #map}, {transform_indices = #map1}, {transform_indices = #map}]} {
    %mul3A = arith.constant 2 : i32
    %mul3A_0 = arith.muli %arg1, %mul3A : i32
    %add3A = arith.addi %mul3A_0, %arg0 : i32
    %mul3A_1 = arith.constant 112 : i32
    %mul3A_2 = arith.muli %add3A, %mul3A_1 : i32
    "tpu.region"() ({
      %run_scoped3A_322 = tpu.sem_alloc : memref<!tpu.dma_semaphore, #tpu.memory_space<semaphore_mem>>
      %dma_start3A_323 = tpu.memref_slice %arg3[%mul3A_2] : memref<3584xi32, #tpu.memory_space<hbm>> -> memref<112xi32, #tpu.memory_space<hbm>>
      %dma_start3A_324 = tpu.memref_slice %arg3[%mul3A_2] : memref<3584xi32, #tpu.memory_space<hbm>> -> memref<112xi32, #tpu.memory_space<hbm>>
      tpu.enqueue_dma source(%dma_start3A_324 : memref<112xi32, #tpu.memory_space<hbm>>) target(%arg5 : memref<112xi32, #tpu.memory_space<vmem>>) target_semaphore(%run_scoped3A_322 : memref<!tpu.dma_semaphore, #tpu.memory_space<semaphore_mem>>)
      %dma_wait3A_325 = tpu.memref_slice %arg3[%mul3A_2] : memref<3584xi32, #tpu.memory_space<hbm>> -> memref<112xi32, #tpu.memory_space<hbm>>
      %dma_wait3A_326 = tpu.memref_slice %arg3[%mul3A_2] : memref<3584xi32, #tpu.memory_space<hbm>> -> memref<112xi32, #tpu.memory_space<hbm>>
      tpu.wait_dma2 semaphore(%run_scoped3A_322 : memref<!tpu.dma_semaphore, #tpu.memory_space<semaphore_mem>>) src(%dma_wait3A_326 : memref<112xi32, #tpu.memory_space<hbm>>) dst(%arg5 : memref<112xi32, #tpu.memory_space<vmem>>)
      tpu.yield
    }) : () -> ()
    %dma_start3A = arith.constant 0 : i32
    %dma_start3A_3 = arith.constant 0 : i32
    %dma_start3A_4 = arith.constant 0 : i32
    %dma_start3A_5 = tpu.memref_slice %arg6[%dma_start3A, %dma_start3A_3, %dma_start3A_4] : memref<2x8x4096xf32, #tpu.memory_space<vmem>> -> memref<1x8x4096xf32, #tpu.memory_space<vmem>>
    %dma_start3A_6 = tpu.memref_squeeze %dma_start3A_5 : memref<1x8x4096xf32, #tpu.memory_space<vmem>> -> memref<8x4096xf32, #tpu.memory_space<vmem>>
    %dma_start3A_7 = arith.constant 0 : i32
    %dma_start3A_8 = tpu.memref_slice %arg5[%dma_start3A_7] : memref<112xi32, #tpu.memory_space<vmem>> -> memref<8xi32, #tpu.memory_space<vmem>>
    %dma_start3A_9 = arith.constant 0 : i32
    %dma_start3A_10 = arith.constant 0 : i32
    %dma_start3A_11 = tpu.memref_slice %arg2[%dma_start3A_9, %dma_start3A_10] : memref<1792x4096xf32, #tpu.memory_space<hbm>> -> memref<1792x4096xf32, #tpu.memory_space<hbm>>
    tpu.enqueue_indirect_dma source(%dma_start3A_11 : memref<1792x4096xf32, #tpu.memory_space<hbm>>) target(%dma_start3A_6 : memref<8x4096xf32, #tpu.memory_space<vmem>>) offsets(%dma_start3A_8 : memref<8xi32, #tpu.memory_space<vmem>>) semaphore(%arg7 : memref<!tpu.dma_semaphore, #tpu.memory_space<semaphore_mem>>)
    %dma_wait3A = arith.constant 0 : i32
    %dma_wait3A_12 = arith.constant 0 : i32
    %dma_wait3A_13 = arith.constant 0 : i32
    %dma_wait3A_14 = tpu.memref_slice %arg6[%dma_wait3A, %dma_wait3A_12, %dma_wait3A_13] : memref<2x8x4096xf32, #tpu.memory_space<vmem>> -> memref<1x8x4096xf32, #tpu.memory_space<vmem>>
    %dma_wait3A_15 = tpu.memref_squeeze %dma_wait3A_14 : memref<1x8x4096xf32, #tpu.memory_space<vmem>> -> memref<8x4096xf32, #tpu.memory_space<vmem>>
    %dma_wait3A_16 = arith.constant 0 : i32
    %dma_wait3A_17 = tpu.memref_slice %arg5[%dma_wait3A_16] : memref<112xi32, #tpu.memory_space<vmem>> -> memref<8xi32, #tpu.memory_space<vmem>>
    %dma_wait3A_18 = arith.constant 0 : i32
    %dma_wait3A_19 = arith.constant 0 : i32
    %dma_wait3A_20 = tpu.memref_slice %arg2[%dma_wait3A_18, %dma_wait3A_19] : memref<1792x4096xf32, #tpu.memory_space<hbm>> -> memref<1792x4096xf32, #tpu.memory_space<hbm>>
    tpu.wait_indirect_dma semaphore(%arg7 : memref<!tpu.dma_semaphore, #tpu.memory_space<semaphore_mem>>) src(%dma_wait3A_20 : memref<1792x4096xf32, #tpu.memory_space<hbm>>) dst(%dma_wait3A_15 : memref<8x4096xf32, #tpu.memory_space<vmem>>)
    %dma_start3A_21 = arith.constant 1 : i32
    %dma_start3A_22 = arith.constant 0 : i32
    %dma_start3A_23 = arith.constant 0 : i32
    %dma_start3A_24 = tpu.memref_slice %arg6[%dma_start3A_21, %dma_start3A_22, %dma_start3A_23] : memref<2x8x4096xf32, #tpu.memory_space<vmem>> -> memref<1x8x4096xf32, #tpu.memory_space<vmem>>
    %dma_start3A_25 = tpu.memref_squeeze %dma_start3A_24 : memref<1x8x4096xf32, #tpu.memory_space<vmem>> -> memref<8x4096xf32, #tpu.memory_space<vmem>>
    %dma_start3A_26 = arith.constant 8 : i32
    %dma_start3A_27 = tpu.memref_slice %arg5[%dma_start3A_26] : memref<112xi32, #tpu.memory_space<vmem>> -> memref<8xi32, #tpu.memory_space<vmem>>
    %dma_start3A_28 = arith.constant 0 : i32
    %dma_start3A_29 = arith.constant 0 : i32
    %dma_start3A_30 = tpu.memref_slice %arg2[%dma_start3A_28, %dma_start3A_29] : memref<1792x4096xf32, #tpu.memory_space<hbm>> -> memref<1792x4096xf32, #tpu.memory_space<hbm>>
    tpu.enqueue_indirect_dma source(%dma_start3A_30 : memref<1792x4096xf32, #tpu.memory_space<hbm>>) target(%dma_start3A_25 : memref<8x4096xf32, #tpu.memory_space<vmem>>) offsets(%dma_start3A_27 : memref<8xi32, #tpu.memory_space<vmem>>) semaphore(%arg8 : memref<!tpu.dma_semaphore, #tpu.memory_space<semaphore_mem>>)
    %add3A_31 = arith.constant 0 : i32
    %add3A_32 = arith.addi %mul3A_2, %add3A_31 : i32
    %run_scoped3A = arith.constant 0 : i32
    "tpu.region"() ({
      %run_scoped3A_322 = tpu.sem_alloc : memref<!tpu.dma_semaphore, #tpu.memory_space<semaphore_mem>>
      %dma_start3A_323 = arith.constant 0 : i32
      %dma_start3A_324 = arith.constant 0 : i32
      %dma_start3A_325 = tpu.memref_slice %arg6[%run_scoped3A, %dma_start3A_323, %dma_start3A_324] : memref<2x8x4096xf32, #tpu.memory_space<vmem>> -> memref<1x8x4096xf32, #tpu.memory_space<vmem>>
      %dma_start3A_326 = tpu.memref_squeeze %dma_start3A_325 : memref<1x8x4096xf32, #tpu.memory_space<vmem>> -> memref<8x4096xf32, #tpu.memory_space<vmem>>
      %dma_start3A_327 = arith.constant 0 : i32
      %dma_start3A_328 = tpu.memref_slice %arg4[%add3A_32, %dma_start3A_327] : memref<3584x4096xf32, #tpu.memory_space<hbm>> -> memref<8x4096xf32, #tpu.memory_space<hbm>>
      %dma_start3A_329 = arith.constant 0 : i32
      %dma_start3A_330 = tpu.memref_slice %arg4[%add3A_32, %dma_start3A_329] : memref<3584x4096xf32, #tpu.memory_space<hbm>> -> memref<8x4096xf32, #tpu.memory_space<hbm>>
      %dma_start3A_331 = arith.constant 0 : i32
      %dma_start3A_332 = arith.constant 0 : i32
      %dma_start3A_333 = tpu.memref_slice %arg6[%run_scoped3A, %dma_start3A_331, %dma_start3A_332] : memref<2x8x4096xf32, #tpu.memory_space<vmem>> -> memref<1x8x4096xf32, #tpu.memory_space<vmem>>
      %dma_start3A_334 = tpu.memref_squeeze %dma_start3A_333 : memref<1x8x4096xf32, #tpu.memory_space<vmem>> -> memref<8x4096xf32, #tpu.memory_space<vmem>>
      tpu.enqueue_dma source(%dma_start3A_334 : memref<8x4096xf32, #tpu.memory_space<vmem>>) target(%dma_start3A_330 : memref<8x4096xf32, #tpu.memory_space<hbm>>) target_semaphore(%run_scoped3A_322 : memref<!tpu.dma_semaphore, #tpu.memory_space<semaphore_mem>>)
      %dma_wait3A_335 = arith.constant 0 : i32
      %dma_wait3A_336 = arith.constant 0 : i32
      %dma_wait3A_337 = tpu.memref_slice %arg6[%run_scoped3A, %dma_wait3A_335, %dma_wait3A_336] : memref<2x8x4096xf32, #tpu.memory_space<vmem>> -> memref<1x8x4096xf32, #tpu.memory_space<vmem>>
      %dma_wait3A_338 = tpu.memref_squeeze %dma_wait3A_337 : memref<1x8x4096xf32, #tpu.memory_space<vmem>> -> memref<8x4096xf32, #tpu.memory_space<vmem>>
      %dma_wait3A_339 = arith.constant 0 : i32
      %dma_wait3A_340 = tpu.memref_slice %arg4[%add3A_32, %dma_wait3A_339] : memref<3584x4096xf32, #tpu.memory_space<hbm>> -> memref<8x4096xf32, #tpu.memory_space<hbm>>
      %dma_wait3A_341 = arith.constant 0 : i32
      %dma_wait3A_342 = tpu.memref_slice %arg4[%add3A_32, %dma_wait3A_341] : memref<3584x4096xf32, #tpu.memory_space<hbm>> -> memref<8x4096xf32, #tpu.memory_space<hbm>>
      %dma_wait3A_343 = arith.constant 0 : i32
      %dma_wait3A_344 = arith.constant 0 : i32
      %dma_wait3A_345 = tpu.memref_slice %arg6[%run_scoped3A, %dma_wait3A_343, %dma_wait3A_344] : memref<2x8x4096xf32, #tpu.memory_space<vmem>> -> memref<1x8x4096xf32, #tpu.memory_space<vmem>>
      %dma_wait3A_346 = tpu.memref_squeeze %dma_wait3A_345 : memref<1x8x4096xf32, #tpu.memory_space<vmem>> -> memref<8x4096xf32, #tpu.memory_space<vmem>>
      tpu.wait_dma2 semaphore(%run_scoped3A_322 : memref<!tpu.dma_semaphore, #tpu.memory_space<semaphore_mem>>) src(%dma_wait3A_346 : memref<8x4096xf32, #tpu.memory_space<vmem>>) dst(%dma_wait3A_342 : memref<8x4096xf32, #tpu.memory_space<hbm>>)
      tpu.yield
    }) : () -> ()
    %dma_wait3A_33 = arith.constant 1 : i32
    %dma_wait3A_34 = arith.constant 0 : i32
    %dma_wait3A_35 = arith.constant 0 : i32
    %dma_wait3A_36 = tpu.memref_slice %arg6[%dma_wait3A_33, %dma_wait3A_34, %dma_wait3A_35] : memref<2x8x4096xf32, #tpu.memory_space<vmem>> -> memref<1x8x4096xf32, #tpu.memory_space<vmem>>
    %dma_wait3A_37 = tpu.memref_squeeze %dma_wait3A_36 : memref<1x8x4096xf32, #tpu.memory_space<vmem>> -> memref<8x4096xf32, #tpu.memory_space<vmem>>
    %dma_wait3A_38 = arith.constant 8 : i32
    %dma_wait3A_39 = tpu.memref_slice %arg5[%dma_wait3A_38] : memref<112xi32, #tpu.memory_space<vmem>> -> memref<8xi32, #tpu.memory_space<vmem>>
    %dma_wait3A_40 = arith.constant 0 : i32
    %dma_wait3A_41 = arith.constant 0 : i32
    %dma_wait3A_42 = tpu.memref_slice %arg2[%dma_wait3A_40, %dma_wait3A_41] : memref<1792x4096xf32, #tpu.memory_space<hbm>> -> memref<1792x4096xf32, #tpu.memory_space<hbm>>
    tpu.wait_indirect_dma semaphore(%arg8 : memref<!tpu.dma_semaphore, #tpu.memory_space<semaphore_mem>>) src(%dma_wait3A_42 : memref<1792x4096xf32, #tpu.memory_space<hbm>>) dst(%dma_wait3A_37 : memref<8x4096xf32, #tpu.memory_space<vmem>>)
    %dma_start3A_43 = arith.constant 0 : i32
    %dma_start3A_44 = arith.constant 0 : i32
    %dma_start3A_45 = arith.constant 0 : i32
    %dma_start3A_46 = tpu.memref_slice %arg6[%dma_start3A_43, %dma_start3A_44, %dma_start3A_45] : memref<2x8x4096xf32, #tpu.memory_space<vmem>> -> memref<1x8x4096xf32, #tpu.memory_space<vmem>>
    %dma_start3A_47 = tpu.memref_squeeze %dma_start3A_46 : memref<1x8x4096xf32, #tpu.memory_space<vmem>> -> memref<8x4096xf32, #tpu.memory_space<vmem>>
    %dma_start3A_48 = arith.constant 16 : i32
    %dma_start3A_49 = tpu.memref_slice %arg5[%dma_start3A_48] : memref<112xi32, #tpu.memory_space<vmem>> -> memref<8xi32, #tpu.memory_space<vmem>>
    %dma_start3A_50 = arith.constant 0 : i32
    %dma_start3A_51 = arith.constant 0 : i32
    %dma_start3A_52 = tpu.memref_slice %arg2[%dma_start3A_50, %dma_start3A_51] : memref<1792x4096xf32, #tpu.memory_space<hbm>> -> memref<1792x4096xf32, #tpu.memory_space<hbm>>
    tpu.enqueue_indirect_dma source(%dma_start3A_52 : memref<1792x4096xf32, #tpu.memory_space<hbm>>) target(%dma_start3A_47 : memref<8x4096xf32, #tpu.memory_space<vmem>>) offsets(%dma_start3A_49 : memref<8xi32, #tpu.memory_space<vmem>>) semaphore(%arg7 : memref<!tpu.dma_semaphore, #tpu.memory_space<semaphore_mem>>)
    %add3A_53 = arith.constant 8 : i32
    %add3A_54 = arith.addi %mul3A_2, %add3A_53 : i32
    %run_scoped3A_55 = arith.constant 1 : i32
    "tpu.region"() ({
      %run_scoped3A_322 = tpu.sem_alloc : memref<!tpu.dma_semaphore, #tpu.memory_space<semaphore_mem>>
      %dma_start3A_323 = arith.constant 0 : i32
      %dma_start3A_324 = arith.constant 0 : i32
      %dma_start3A_325 = tpu.memref_slice %arg6[%run_scoped3A_55, %dma_start3A_323, %dma_start3A_324] : memref<2x8x4096xf32, #tpu.memory_space<vmem>> -> memref<1x8x4096xf32, #tpu.memory_space<vmem>>
      %dma_start3A_326 = tpu.memref_squeeze %dma_start3A_325 : memref<1x8x4096xf32, #tpu.memory_space<vmem>> -> memref<8x4096xf32, #tpu.memory_space<vmem>>
      %dma_start3A_327 = arith.constant 0 : i32
      %dma_start3A_328 = tpu.memref_slice %arg4[%add3A_54, %dma_start3A_327] : memref<3584x4096xf32, #tpu.memory_space<hbm>> -> memref<8x4096xf32, #tpu.memory_space<hbm>>
      %dma_start3A_329 = arith.constant 0 : i32
      %dma_start3A_330 = tpu.memref_slice %arg4[%add3A_54, %dma_start3A_329] : memref<3584x4096xf32, #tpu.memory_space<hbm>> -> memref<8x4096xf32, #tpu.memory_space<hbm>>
      %dma_start3A_331 = arith.constant 0 : i32
      %dma_start3A_332 = arith.constant 0 : i32
      %dma_start3A_333 = tpu.memref_slice %arg6[%run_scoped3A_55, %dma_start3A_331, %dma_start3A_332] : memref<2x8x4096xf32, #tpu.memory_space<vmem>> -> memref<1x8x4096xf32, #tpu.memory_space<vmem>>
      %dma_start3A_334 = tpu.memref_squeeze %dma_start3A_333 : memref<1x8x4096xf32, #tpu.memory_space<vmem>> -> memref<8x4096xf32, #tpu.memory_space<vmem>>
      tpu.enqueue_dma source(%dma_start3A_334 : memref<8x4096xf32, #tpu.memory_space<vmem>>) target(%dma_start3A_330 : memref<8x4096xf32, #tpu.memory_space<hbm>>) target_semaphore(%run_scoped3A_322 : memref<!tpu.dma_semaphore, #tpu.memory_space<semaphore_mem>>)
      %dma_wait3A_335 = arith.constant 0 : i32
      %dma_wait3A_336 = arith.constant 0 : i32
      %dma_wait3A_337 = tpu.memref_slice %arg6[%run_scoped3A_55, %dma_wait3A_335, %dma_wait3A_336] : memref<2x8x4096xf32, #tpu.memory_space<vmem>> -> memref<1x8x4096xf32, #tpu.memory_space<vmem>>
      %dma_wait3A_338 = tpu.memref_squeeze %dma_wait3A_337 : memref<1x8x4096xf32, #tpu.memory_space<vmem>> -> memref<8x4096xf32, #tpu.memory_space<vmem>>
      %dma_wait3A_339 = arith.constant 0 : i32
      %dma_wait3A_340 = tpu.memref_slice %arg4[%add3A_54, %dma_wait3A_339] : memref<3584x4096xf32, #tpu.memory_space<hbm>> -> memref<8x4096xf32, #tpu.memory_space<hbm>>
      %dma_wait3A_341 = arith.constant 0 : i32
      %dma_wait3A_342 = tpu.memref_slice %arg4[%add3A_54, %dma_wait3A_341] : memref<3584x4096xf32, #tpu.memory_space<hbm>> -> memref<8x4096xf32, #tpu.memory_space<hbm>>
      %dma_wait3A_343 = arith.constant 0 : i32
      %dma_wait3A_344 = arith.constant 0 : i32
      %dma_wait3A_345 = tpu.memref_slice %arg6[%run_scoped3A_55, %dma_wait3A_343, %dma_wait3A_344] : memref<2x8x4096xf32, #tpu.memory_space<vmem>> -> memref<1x8x4096xf32, #tpu.memory_space<vmem>>
      %dma_wait3A_346 = tpu.memref_squeeze %dma_wait3A_345 : memref<1x8x4096xf32, #tpu.memory_space<vmem>> -> memref<8x4096xf32, #tpu.memory_space<vmem>>
      tpu.wait_dma2 semaphore(%run_scoped3A_322 : memref<!tpu.dma_semaphore, #tpu.memory_space<semaphore_mem>>) src(%dma_wait3A_346 : memref<8x4096xf32, #tpu.memory_space<vmem>>) dst(%dma_wait3A_342 : memref<8x4096xf32, #tpu.memory_space<hbm>>)
      tpu.yield
    }) : () -> ()
    %dma_wait3A_56 = arith.constant 0 : i32
    %dma_wait3A_57 = arith.constant 0 : i32
    %dma_wait3A_58 = arith.constant 0 : i32
    %dma_wait3A_59 = tpu.memref_slice %arg6[%dma_wait3A_56, %dma_wait3A_57, %dma_wait3A_58] : memref<2x8x4096xf32, #tpu.memory_space<vmem>> -> memref<1x8x4096xf32, #tpu.memory_space<vmem>>
    %dma_wait3A_60 = tpu.memref_squeeze %dma_wait3A_59 : memref<1x8x4096xf32, #tpu.memory_space<vmem>> -> memref<8x4096xf32, #tpu.memory_space<vmem>>
    %dma_wait3A_61 = arith.constant 16 : i32
    %dma_wait3A_62 = tpu.memref_slice %arg5[%dma_wait3A_61] : memref<112xi32, #tpu.memory_space<vmem>> -> memref<8xi32, #tpu.memory_space<vmem>>
    %dma_wait3A_63 = arith.constant 0 : i32
    %dma_wait3A_64 = arith.constant 0 : i32
    %dma_wait3A_65 = tpu.memref_slice %arg2[%dma_wait3A_63, %dma_wait3A_64] : memref<1792x4096xf32, #tpu.memory_space<hbm>> -> memref<1792x4096xf32, #tpu.memory_space<hbm>>
    tpu.wait_indirect_dma semaphore(%arg7 : memref<!tpu.dma_semaphore, #tpu.memory_space<semaphore_mem>>) src(%dma_wait3A_65 : memref<1792x4096xf32, #tpu.memory_space<hbm>>) dst(%dma_wait3A_60 : memref<8x4096xf32, #tpu.memory_space<vmem>>)
    %dma_start3A_66 = arith.constant 1 : i32
    %dma_start3A_67 = arith.constant 0 : i32
    %dma_start3A_68 = arith.constant 0 : i32
    %dma_start3A_69 = tpu.memref_slice %arg6[%dma_start3A_66, %dma_start3A_67, %dma_start3A_68] : memref<2x8x4096xf32, #tpu.memory_space<vmem>> -> memref<1x8x4096xf32, #tpu.memory_space<vmem>>
    %dma_start3A_70 = tpu.memref_squeeze %dma_start3A_69 : memref<1x8x4096xf32, #tpu.memory_space<vmem>> -> memref<8x4096xf32, #tpu.memory_space<vmem>>
    %dma_start3A_71 = arith.constant 24 : i32
    %dma_start3A_72 = tpu.memref_slice %arg5[%dma_start3A_71] : memref<112xi32, #tpu.memory_space<vmem>> -> memref<8xi32, #tpu.memory_space<vmem>>
    %dma_start3A_73 = arith.constant 0 : i32
    %dma_start3A_74 = arith.constant 0 : i32
    %dma_start3A_75 = tpu.memref_slice %arg2[%dma_start3A_73, %dma_start3A_74] : memref<1792x4096xf32, #tpu.memory_space<hbm>> -> memref<1792x4096xf32, #tpu.memory_space<hbm>>
    tpu.enqueue_indirect_dma source(%dma_start3A_75 : memref<1792x4096xf32, #tpu.memory_space<hbm>>) target(%dma_start3A_70 : memref<8x4096xf32, #tpu.memory_space<vmem>>) offsets(%dma_start3A_72 : memref<8xi32, #tpu.memory_space<vmem>>) semaphore(%arg8 : memref<!tpu.dma_semaphore, #tpu.memory_space<semaphore_mem>>)
    %add3A_76 = arith.constant 16 : i32
    %add3A_77 = arith.addi %mul3A_2, %add3A_76 : i32
    %run_scoped3A_78 = arith.constant 0 : i32
    "tpu.region"() ({
      %run_scoped3A_322 = tpu.sem_alloc : memref<!tpu.dma_semaphore, #tpu.memory_space<semaphore_mem>>
      %dma_start3A_323 = arith.constant 0 : i32
      %dma_start3A_324 = arith.constant 0 : i32
      %dma_start3A_325 = tpu.memref_slice %arg6[%run_scoped3A_78, %dma_start3A_323, %dma_start3A_324] : memref<2x8x4096xf32, #tpu.memory_space<vmem>> -> memref<1x8x4096xf32, #tpu.memory_space<vmem>>
      %dma_start3A_326 = tpu.memref_squeeze %dma_start3A_325 : memref<1x8x4096xf32, #tpu.memory_space<vmem>> -> memref<8x4096xf32, #tpu.memory_space<vmem>>
      %dma_start3A_327 = arith.constant 0 : i32
      %dma_start3A_328 = tpu.memref_slice %arg4[%add3A_77, %dma_start3A_327] : memref<3584x4096xf32, #tpu.memory_space<hbm>> -> memref<8x4096xf32, #tpu.memory_space<hbm>>
      %dma_start3A_329 = arith.constant 0 : i32
      %dma_start3A_330 = tpu.memref_slice %arg4[%add3A_77, %dma_start3A_329] : memref<3584x4096xf32, #tpu.memory_space<hbm>> -> memref<8x4096xf32, #tpu.memory_space<hbm>>
      %dma_start3A_331 = arith.constant 0 : i32
      %dma_start3A_332 = arith.constant 0 : i32
      %dma_start3A_333 = tpu.memref_slice %arg6[%run_scoped3A_78, %dma_start3A_331, %dma_start3A_332] : memref<2x8x4096xf32, #tpu.memory_space<vmem>> -> memref<1x8x4096xf32, #tpu.memory_space<vmem>>
      %dma_start3A_334 = tpu.memref_squeeze %dma_start3A_333 : memref<1x8x4096xf32, #tpu.memory_space<vmem>> -> memref<8x4096xf32, #tpu.memory_space<vmem>>
      tpu.enqueue_dma source(%dma_start3A_334 : memref<8x4096xf32, #tpu.memory_space<vmem>>) target(%dma_start3A_330 : memref<8x4096xf32, #tpu.memory_space<hbm>>) target_semaphore(%run_scoped3A_322 : memref<!tpu.dma_semaphore, #tpu.memory_space<semaphore_mem>>)
      %dma_wait3A_335 = arith.constant 0 : i32
      %dma_wait3A_336 = arith.constant 0 : i32
      %dma_wait3A_337 = tpu.memref_slice %arg6[%run_scoped3A_78, %dma_wait3A_335, %dma_wait3A_336] : memref<2x8x4096xf32, #tpu.memory_space<vmem>> -> memref<1x8x4096xf32, #tpu.memory_space<vmem>>
      %dma_wait3A_338 = tpu.memref_squeeze %dma_wait3A_337 : memref<1x8x4096xf32, #tpu.memory_space<vmem>> -> memref<8x4096xf32, #tpu.memory_space<vmem>>
      %dma_wait3A_339 = arith.constant 0 : i32
      %dma_wait3A_340 = tpu.memref_slice %arg4[%add3A_77, %dma_wait3A_339] : memref<3584x4096xf32, #tpu.memory_space<hbm>> -> memref<8x4096xf32, #tpu.memory_space<hbm>>
      %dma_wait3A_341 = arith.constant 0 : i32
      %dma_wait3A_342 = tpu.memref_slice %arg4[%add3A_77, %dma_wait3A_341] : memref<3584x4096xf32, #tpu.memory_space<hbm>> -> memref<8x4096xf32, #tpu.memory_space<hbm>>
      %dma_wait3A_343 = arith.constant 0 : i32
      %dma_wait3A_344 = arith.constant 0 : i32
      %dma_wait3A_345 = tpu.memref_slice %arg6[%run_scoped3A_78, %dma_wait3A_343, %dma_wait3A_344] : memref<2x8x4096xf32, #tpu.memory_space<vmem>> -> memref<1x8x4096xf32, #tpu.memory_space<vmem>>
      %dma_wait3A_346 = tpu.memref_squeeze %dma_wait3A_345 : memref<1x8x4096xf32, #tpu.memory_space<vmem>> -> memref<8x4096xf32, #tpu.memory_space<vmem>>
      tpu.wait_dma2 semaphore(%run_scoped3A_322 : memref<!tpu.dma_semaphore, #tpu.memory_space<semaphore_mem>>) src(%dma_wait3A_346 : memref<8x4096xf32, #tpu.memory_space<vmem>>) dst(%dma_wait3A_342 : memref<8x4096xf32, #tpu.memory_space<hbm>>)
      tpu.yield
    }) : () -> ()
    %dma_wait3A_79 = arith.constant 1 : i32
    %dma_wait3A_80 = arith.constant 0 : i32
    %dma_wait3A_81 = arith.constant 0 : i32
    %dma_wait3A_82 = tpu.memref_slice %arg6[%dma_wait3A_79, %dma_wait3A_80, %dma_wait3A_81] : memref<2x8x4096xf32, #tpu.memory_space<vmem>> -> memref<1x8x4096xf32, #tpu.memory_space<vmem>>
    %dma_wait3A_83 = tpu.memref_squeeze %dma_wait3A_82 : memref<1x8x4096xf32, #tpu.memory_space<vmem>> -> memref<8x4096xf32, #tpu.memory_space<vmem>>
    %dma_wait3A_84 = arith.constant 24 : i32
    %dma_wait3A_85 = tpu.memref_slice %arg5[%dma_wait3A_84] : memref<112xi32, #tpu.memory_space<vmem>> -> memref<8xi32, #tpu.memory_space<vmem>>
    %dma_wait3A_86 = arith.constant 0 : i32
    %dma_wait3A_87 = arith.constant 0 : i32
    %dma_wait3A_88 = tpu.memref_slice %arg2[%dma_wait3A_86, %dma_wait3A_87] : memref<1792x4096xf32, #tpu.memory_space<hbm>> -> memref<1792x4096xf32, #tpu.memory_space<hbm>>
    tpu.wait_indirect_dma semaphore(%arg8 : memref<!tpu.dma_semaphore, #tpu.memory_space<semaphore_mem>>) src(%dma_wait3A_88 : memref<1792x4096xf32, #tpu.memory_space<hbm>>) dst(%dma_wait3A_83 : memref<8x4096xf32, #tpu.memory_space<vmem>>)
    %dma_start3A_89 = arith.constant 0 : i32
    %dma_start3A_90 = arith.constant 0 : i32
    %dma_start3A_91 = arith.constant 0 : i32
    %dma_start3A_92 = tpu.memref_slice %arg6[%dma_start3A_89, %dma_start3A_90, %dma_start3A_91] : memref<2x8x4096xf32, #tpu.memory_space<vmem>> -> memref<1x8x4096xf32, #tpu.memory_space<vmem>>
    %dma_start3A_93 = tpu.memref_squeeze %dma_start3A_92 : memref<1x8x4096xf32, #tpu.memory_space<vmem>> -> memref<8x4096xf32, #tpu.memory_space<vmem>>
    %dma_start3A_94 = arith.constant 32 : i32
    %dma_start3A_95 = tpu.memref_slice %arg5[%dma_start3A_94] : memref<112xi32, #tpu.memory_space<vmem>> -> memref<8xi32, #tpu.memory_space<vmem>>
    %dma_start3A_96 = arith.constant 0 : i32
    %dma_start3A_97 = arith.constant 0 : i32
    %dma_start3A_98 = tpu.memref_slice %arg2[%dma_start3A_96, %dma_start3A_97] : memref<1792x4096xf32, #tpu.memory_space<hbm>> -> memref<1792x4096xf32, #tpu.memory_space<hbm>>
    tpu.enqueue_indirect_dma source(%dma_start3A_98 : memref<1792x4096xf32, #tpu.memory_space<hbm>>) target(%dma_start3A_93 : memref<8x4096xf32, #tpu.memory_space<vmem>>) offsets(%dma_start3A_95 : memref<8xi32, #tpu.memory_space<vmem>>) semaphore(%arg7 : memref<!tpu.dma_semaphore, #tpu.memory_space<semaphore_mem>>)
    %add3A_99 = arith.constant 24 : i32
    %add3A_100 = arith.addi %mul3A_2, %add3A_99 : i32
    %run_scoped3A_101 = arith.constant 1 : i32
    "tpu.region"() ({
      %run_scoped3A_322 = tpu.sem_alloc : memref<!tpu.dma_semaphore, #tpu.memory_space<semaphore_mem>>
      %dma_start3A_323 = arith.constant 0 : i32
      %dma_start3A_324 = arith.constant 0 : i32
      %dma_start3A_325 = tpu.memref_slice %arg6[%run_scoped3A_101, %dma_start3A_323, %dma_start3A_324] : memref<2x8x4096xf32, #tpu.memory_space<vmem>> -> memref<1x8x4096xf32, #tpu.memory_space<vmem>>
      %dma_start3A_326 = tpu.memref_squeeze %dma_start3A_325 : memref<1x8x4096xf32, #tpu.memory_space<vmem>> -> memref<8x4096xf32, #tpu.memory_space<vmem>>
      %dma_start3A_327 = arith.constant 0 : i32
      %dma_start3A_328 = tpu.memref_slice %arg4[%add3A_100, %dma_start3A_327] : memref<3584x4096xf32, #tpu.memory_space<hbm>> -> memref<8x4096xf32, #tpu.memory_space<hbm>>
      %dma_start3A_329 = arith.constant 0 : i32
      %dma_start3A_330 = tpu.memref_slice %arg4[%add3A_100, %dma_start3A_329] : memref<3584x4096xf32, #tpu.memory_space<hbm>> -> memref<8x4096xf32, #tpu.memory_space<hbm>>
      %dma_start3A_331 = arith.constant 0 : i32
      %dma_start3A_332 = arith.constant 0 : i32
      %dma_start3A_333 = tpu.memref_slice %arg6[%run_scoped3A_101, %dma_start3A_331, %dma_start3A_332] : memref<2x8x4096xf32, #tpu.memory_space<vmem>> -> memref<1x8x4096xf32, #tpu.memory_space<vmem>>
      %dma_start3A_334 = tpu.memref_squeeze %dma_start3A_333 : memref<1x8x4096xf32, #tpu.memory_space<vmem>> -> memref<8x4096xf32, #tpu.memory_space<vmem>>
      tpu.enqueue_dma source(%dma_start3A_334 : memref<8x4096xf32, #tpu.memory_space<vmem>>) target(%dma_start3A_330 : memref<8x4096xf32, #tpu.memory_space<hbm>>) target_semaphore(%run_scoped3A_322 : memref<!tpu.dma_semaphore, #tpu.memory_space<semaphore_mem>>)
      %dma_wait3A_335 = arith.constant 0 : i32
      %dma_wait3A_336 = arith.constant 0 : i32
      %dma_wait3A_337 = tpu.memref_slice %arg6[%run_scoped3A_101, %dma_wait3A_335, %dma_wait3A_336] : memref<2x8x4096xf32, #tpu.memory_space<vmem>> -> memref<1x8x4096xf32, #tpu.memory_space<vmem>>
      %dma_wait3A_338 = tpu.memref_squeeze %dma_wait3A_337 : memref<1x8x4096xf32, #tpu.memory_space<vmem>> -> memref<8x4096xf32, #tpu.memory_space<vmem>>
      %dma_wait3A_339 = arith.constant 0 : i32
      %dma_wait3A_340 = tpu.memref_slice %arg4[%add3A_100, %dma_wait3A_339] : memref<3584x4096xf32, #tpu.memory_space<hbm>> -> memref<8x4096xf32, #tpu.memory_space<hbm>>
      %dma_wait3A_341 = arith.constant 0 : i32
      %dma_wait3A_342 = tpu.memref_slice %arg4[%add3A_100, %dma_wait3A_341] : memref<3584x4096xf32, #tpu.memory_space<hbm>> -> memref<8x4096xf32, #tpu.memory_space<hbm>>
      %dma_wait3A_343 = arith.constant 0 : i32
      %dma_wait3A_344 = arith.constant 0 : i32
      %dma_wait3A_345 = tpu.memref_slice %arg6[%run_scoped3A_101, %dma_wait3A_343, %dma_wait3A_344] : memref<2x8x4096xf32, #tpu.memory_space<vmem>> -> memref<1x8x4096xf32, #tpu.memory_space<vmem>>
      %dma_wait3A_346 = tpu.memref_squeeze %dma_wait3A_345 : memref<1x8x4096xf32, #tpu.memory_space<vmem>> -> memref<8x4096xf32, #tpu.memory_space<vmem>>
      tpu.wait_dma2 semaphore(%run_scoped3A_322 : memref<!tpu.dma_semaphore, #tpu.memory_space<semaphore_mem>>) src(%dma_wait3A_346 : memref<8x4096xf32, #tpu.memory_space<vmem>>) dst(%dma_wait3A_342 : memref<8x4096xf32, #tpu.memory_space<hbm>>)
      tpu.yield
    }) : () -> ()
    %dma_wait3A_102 = arith.constant 0 : i32
    %dma_wait3A_103 = arith.constant 0 : i32
    %dma_wait3A_104 = arith.constant 0 : i32
    %dma_wait3A_105 = tpu.memref_slice %arg6[%dma_wait3A_102, %dma_wait3A_103, %dma_wait3A_104] : memref<2x8x4096xf32, #tpu.memory_space<vmem>> -> memref<1x8x4096xf32, #tpu.memory_space<vmem>>
    %dma_wait3A_106 = tpu.memref_squeeze %dma_wait3A_105 : memref<1x8x4096xf32, #tpu.memory_space<vmem>> -> memref<8x4096xf32, #tpu.memory_space<vmem>>
    %dma_wait3A_107 = arith.constant 32 : i32
    %dma_wait3A_108 = tpu.memref_slice %arg5[%dma_wait3A_107] : memref<112xi32, #tpu.memory_space<vmem>> -> memref<8xi32, #tpu.memory_space<vmem>>
    %dma_wait3A_109 = arith.constant 0 : i32
    %dma_wait3A_110 = arith.constant 0 : i32
    %dma_wait3A_111 = tpu.memref_slice %arg2[%dma_wait3A_109, %dma_wait3A_110] : memref<1792x4096xf32, #tpu.memory_space<hbm>> -> memref<1792x4096xf32, #tpu.memory_space<hbm>>
    tpu.wait_indirect_dma semaphore(%arg7 : memref<!tpu.dma_semaphore, #tpu.memory_space<semaphore_mem>>) src(%dma_wait3A_111 : memref<1792x4096xf32, #tpu.memory_space<hbm>>) dst(%dma_wait3A_106 : memref<8x4096xf32, #tpu.memory_space<vmem>>)
    %dma_start3A_112 = arith.constant 1 : i32
    %dma_start3A_113 = arith.constant 0 : i32
    %dma_start3A_114 = arith.constant 0 : i32
    %dma_start3A_115 = tpu.memref_slice %arg6[%dma_start3A_112, %dma_start3A_113, %dma_start3A_114] : memref<2x8x4096xf32, #tpu.memory_space<vmem>> -> memref<1x8x4096xf32, #tpu.memory_space<vmem>>
    %dma_start3A_116 = tpu.memref_squeeze %dma_start3A_115 : memref<1x8x4096xf32, #tpu.memory_space<vmem>> -> memref<8x4096xf32, #tpu.memory_space<vmem>>
    %dma_start3A_117 = arith.constant 40 : i32
    %dma_start3A_118 = tpu.memref_slice %arg5[%dma_start3A_117] : memref<112xi32, #tpu.memory_space<vmem>> -> memref<8xi32, #tpu.memory_space<vmem>>
    %dma_start3A_119 = arith.constant 0 : i32
    %dma_start3A_120 = arith.constant 0 : i32
    %dma_start3A_121 = tpu.memref_slice %arg2[%dma_start3A_119, %dma_start3A_120] : memref<1792x4096xf32, #tpu.memory_space<hbm>> -> memref<1792x4096xf32, #tpu.memory_space<hbm>>
    tpu.enqueue_indirect_dma source(%dma_start3A_121 : memref<1792x4096xf32, #tpu.memory_space<hbm>>) target(%dma_start3A_116 : memref<8x4096xf32, #tpu.memory_space<vmem>>) offsets(%dma_start3A_118 : memref<8xi32, #tpu.memory_space<vmem>>) semaphore(%arg8 : memref<!tpu.dma_semaphore, #tpu.memory_space<semaphore_mem>>)
    %add3A_122 = arith.constant 32 : i32
    %add3A_123 = arith.addi %mul3A_2, %add3A_122 : i32
    %run_scoped3A_124 = arith.constant 0 : i32
    "tpu.region"() ({
      %run_scoped3A_322 = tpu.sem_alloc : memref<!tpu.dma_semaphore, #tpu.memory_space<semaphore_mem>>
      %dma_start3A_323 = arith.constant 0 : i32
      %dma_start3A_324 = arith.constant 0 : i32
      %dma_start3A_325 = tpu.memref_slice %arg6[%run_scoped3A_124, %dma_start3A_323, %dma_start3A_324] : memref<2x8x4096xf32, #tpu.memory_space<vmem>> -> memref<1x8x4096xf32, #tpu.memory_space<vmem>>
      %dma_start3A_326 = tpu.memref_squeeze %dma_start3A_325 : memref<1x8x4096xf32, #tpu.memory_space<vmem>> -> memref<8x4096xf32, #tpu.memory_space<vmem>>
      %dma_start3A_327 = arith.constant 0 : i32
      %dma_start3A_328 = tpu.memref_slice %arg4[%add3A_123, %dma_start3A_327] : memref<3584x4096xf32, #tpu.memory_space<hbm>> -> memref<8x4096xf32, #tpu.memory_space<hbm>>
      %dma_start3A_329 = arith.constant 0 : i32
      %dma_start3A_330 = tpu.memref_slice %arg4[%add3A_123, %dma_start3A_329] : memref<3584x4096xf32, #tpu.memory_space<hbm>> -> memref<8x4096xf32, #tpu.memory_space<hbm>>
      %dma_start3A_331 = arith.constant 0 : i32
      %dma_start3A_332 = arith.constant 0 : i32
      %dma_start3A_333 = tpu.memref_slice %arg6[%run_scoped3A_124, %dma_start3A_331, %dma_start3A_332] : memref<2x8x4096xf32, #tpu.memory_space<vmem>> -> memref<1x8x4096xf32, #tpu.memory_space<vmem>>
      %dma_start3A_334 = tpu.memref_squeeze %dma_start3A_333 : memref<1x8x4096xf32, #tpu.memory_space<vmem>> -> memref<8x4096xf32, #tpu.memory_space<vmem>>
      tpu.enqueue_dma source(%dma_start3A_334 : memref<8x4096xf32, #tpu.memory_space<vmem>>) target(%dma_start3A_330 : memref<8x4096xf32, #tpu.memory_space<hbm>>) target_semaphore(%run_scoped3A_322 : memref<!tpu.dma_semaphore, #tpu.memory_space<semaphore_mem>>)
      %dma_wait3A_335 = arith.constant 0 : i32
      %dma_wait3A_336 = arith.constant 0 : i32
      %dma_wait3A_337 = tpu.memref_slice %arg6[%run_scoped3A_124, %dma_wait3A_335, %dma_wait3A_336] : memref<2x8x4096xf32, #tpu.memory_space<vmem>> -> memref<1x8x4096xf32, #tpu.memory_space<vmem>>
      %dma_wait3A_338 = tpu.memref_squeeze %dma_wait3A_337 : memref<1x8x4096xf32, #tpu.memory_space<vmem>> -> memref<8x4096xf32, #tpu.memory_space<vmem>>
      %dma_wait3A_339 = arith.constant 0 : i32
      %dma_wait3A_340 = tpu.memref_slice %arg4[%add3A_123, %dma_wait3A_339] : memref<3584x4096xf32, #tpu.memory_space<hbm>> -> memref<8x4096xf32, #tpu.memory_space<hbm>>
      %dma_wait3A_341 = arith.constant 0 : i32
      %dma_wait3A_342 = tpu.memref_slice %arg4[%add3A_123, %dma_wait3A_341] : memref<3584x4096xf32, #tpu.memory_space<hbm>> -> memref<8x4096xf32, #tpu.memory_space<hbm>>
      %dma_wait3A_343 = arith.constant 0 : i32
      %dma_wait3A_344 = arith.constant 0 : i32
      %dma_wait3A_345 = tpu.memref_slice %arg6[%run_scoped3A_124, %dma_wait3A_343, %dma_wait3A_344] : memref<2x8x4096xf32, #tpu.memory_space<vmem>> -> memref<1x8x4096xf32, #tpu.memory_space<vmem>>
      %dma_wait3A_346 = tpu.memref_squeeze %dma_wait3A_345 : memref<1x8x4096xf32, #tpu.memory_space<vmem>> -> memref<8x4096xf32, #tpu.memory_space<vmem>>
      tpu.wait_dma2 semaphore(%run_scoped3A_322 : memref<!tpu.dma_semaphore, #tpu.memory_space<semaphore_mem>>) src(%dma_wait3A_346 : memref<8x4096xf32, #tpu.memory_space<vmem>>) dst(%dma_wait3A_342 : memref<8x4096xf32, #tpu.memory_space<hbm>>)
      tpu.yield
    }) : () -> ()
    %dma_wait3A_125 = arith.constant 1 : i32
    %dma_wait3A_126 = arith.constant 0 : i32
    %dma_wait3A_127 = arith.constant 0 : i32
    %dma_wait3A_128 = tpu.memref_slice %arg6[%dma_wait3A_125, %dma_wait3A_126, %dma_wait3A_127] : memref<2x8x4096xf32, #tpu.memory_space<vmem>> -> memref<1x8x4096xf32, #tpu.memory_space<vmem>>
    %dma_wait3A_129 = tpu.memref_squeeze %dma_wait3A_128 : memref<1x8x4096xf32, #tpu.memory_space<vmem>> -> memref<8x4096xf32, #tpu.memory_space<vmem>>
    %dma_wait3A_130 = arith.constant 40 : i32
    %dma_wait3A_131 = tpu.memref_slice %arg5[%dma_wait3A_130] : memref<112xi32, #tpu.memory_space<vmem>> -> memref<8xi32, #tpu.memory_space<vmem>>
    %dma_wait3A_132 = arith.constant 0 : i32
    %dma_wait3A_133 = arith.constant 0 : i32
    %dma_wait3A_134 = tpu.memref_slice %arg2[%dma_wait3A_132, %dma_wait3A_133] : memref<1792x4096xf32, #tpu.memory_space<hbm>> -> memref<1792x4096xf32, #tpu.memory_space<hbm>>
    tpu.wait_indirect_dma semaphore(%arg8 : memref<!tpu.dma_semaphore, #tpu.memory_space<semaphore_mem>>) src(%dma_wait3A_134 : memref<1792x4096xf32, #tpu.memory_space<hbm>>) dst(%dma_wait3A_129 : memref<8x4096xf32, #tpu.memory_space<vmem>>)
    %dma_start3A_135 = arith.constant 0 : i32
    %dma_start3A_136 = arith.constant 0 : i32
    %dma_start3A_137 = arith.constant 0 : i32
    %dma_start3A_138 = tpu.memref_slice %arg6[%dma_start3A_135, %dma_start3A_136, %dma_start3A_137] : memref<2x8x4096xf32, #tpu.memory_space<vmem>> -> memref<1x8x4096xf32, #tpu.memory_space<vmem>>
    %dma_start3A_139 = tpu.memref_squeeze %dma_start3A_138 : memref<1x8x4096xf32, #tpu.memory_space<vmem>> -> memref<8x4096xf32, #tpu.memory_space<vmem>>
    %dma_start3A_140 = arith.constant 48 : i32
    %dma_start3A_141 = tpu.memref_slice %arg5[%dma_start3A_140] : memref<112xi32, #tpu.memory_space<vmem>> -> memref<8xi32, #tpu.memory_space<vmem>>
    %dma_start3A_142 = arith.constant 0 : i32
    %dma_start3A_143 = arith.constant 0 : i32
    %dma_start3A_144 = tpu.memref_slice %arg2[%dma_start3A_142, %dma_start3A_143] : memref<1792x4096xf32, #tpu.memory_space<hbm>> -> memref<1792x4096xf32, #tpu.memory_space<hbm>>
    tpu.enqueue_indirect_dma source(%dma_start3A_144 : memref<1792x4096xf32, #tpu.memory_space<hbm>>) target(%dma_start3A_139 : memref<8x4096xf32, #tpu.memory_space<vmem>>) offsets(%dma_start3A_141 : memref<8xi32, #tpu.memory_space<vmem>>) semaphore(%arg7 : memref<!tpu.dma_semaphore, #tpu.memory_space<semaphore_mem>>)
    %add3A_145 = arith.constant 40 : i32
    %add3A_146 = arith.addi %mul3A_2, %add3A_145 : i32
    %run_scoped3A_147 = arith.constant 1 : i32
    "tpu.region"() ({
      %run_scoped3A_322 = tpu.sem_alloc : memref<!tpu.dma_semaphore, #tpu.memory_space<semaphore_mem>>
      %dma_start3A_323 = arith.constant 0 : i32
      %dma_start3A_324 = arith.constant 0 : i32
      %dma_start3A_325 = tpu.memref_slice %arg6[%run_scoped3A_147, %dma_start3A_323, %dma_start3A_324] : memref<2x8x4096xf32, #tpu.memory_space<vmem>> -> memref<1x8x4096xf32, #tpu.memory_space<vmem>>
      %dma_start3A_326 = tpu.memref_squeeze %dma_start3A_325 : memref<1x8x4096xf32, #tpu.memory_space<vmem>> -> memref<8x4096xf32, #tpu.memory_space<vmem>>
      %dma_start3A_327 = arith.constant 0 : i32
      %dma_start3A_328 = tpu.memref_slice %arg4[%add3A_146, %dma_start3A_327] : memref<3584x4096xf32, #tpu.memory_space<hbm>> -> memref<8x4096xf32, #tpu.memory_space<hbm>>
      %dma_start3A_329 = arith.constant 0 : i32
      %dma_start3A_330 = tpu.memref_slice %arg4[%add3A_146, %dma_start3A_329] : memref<3584x4096xf32, #tpu.memory_space<hbm>> -> memref<8x4096xf32, #tpu.memory_space<hbm>>
      %dma_start3A_331 = arith.constant 0 : i32
      %dma_start3A_332 = arith.constant 0 : i32
      %dma_start3A_333 = tpu.memref_slice %arg6[%run_scoped3A_147, %dma_start3A_331, %dma_start3A_332] : memref<2x8x4096xf32, #tpu.memory_space<vmem>> -> memref<1x8x4096xf32, #tpu.memory_space<vmem>>
      %dma_start3A_334 = tpu.memref_squeeze %dma_start3A_333 : memref<1x8x4096xf32, #tpu.memory_space<vmem>> -> memref<8x4096xf32, #tpu.memory_space<vmem>>
      tpu.enqueue_dma source(%dma_start3A_334 : memref<8x4096xf32, #tpu.memory_space<vmem>>) target(%dma_start3A_330 : memref<8x4096xf32, #tpu.memory_space<hbm>>) target_semaphore(%run_scoped3A_322 : memref<!tpu.dma_semaphore, #tpu.memory_space<semaphore_mem>>)
      %dma_wait3A_335 = arith.constant 0 : i32
      %dma_wait3A_336 = arith.constant 0 : i32
      %dma_wait3A_337 = tpu.memref_slice %arg6[%run_scoped3A_147, %dma_wait3A_335, %dma_wait3A_336] : memref<2x8x4096xf32, #tpu.memory_space<vmem>> -> memref<1x8x4096xf32, #tpu.memory_space<vmem>>
      %dma_wait3A_338 = tpu.memref_squeeze %dma_wait3A_337 : memref<1x8x4096xf32, #tpu.memory_space<vmem>> -> memref<8x4096xf32, #tpu.memory_space<vmem>>
      %dma_wait3A_339 = arith.constant 0 : i32
      %dma_wait3A_340 = tpu.memref_slice %arg4[%add3A_146, %dma_wait3A_339] : memref<3584x4096xf32, #tpu.memory_space<hbm>> -> memref<8x4096xf32, #tpu.memory_space<hbm>>
      %dma_wait3A_341 = arith.constant 0 : i32
      %dma_wait3A_342 = tpu.memref_slice %arg4[%add3A_146, %dma_wait3A_341] : memref<3584x4096xf32, #tpu.memory_space<hbm>> -> memref<8x4096xf32, #tpu.memory_space<hbm>>
      %dma_wait3A_343 = arith.constant 0 : i32
      %dma_wait3A_344 = arith.constant 0 : i32
      %dma_wait3A_345 = tpu.memref_slice %arg6[%run_scoped3A_147, %dma_wait3A_343, %dma_wait3A_344] : memref<2x8x4096xf32, #tpu.memory_space<vmem>> -> memref<1x8x4096xf32, #tpu.memory_space<vmem>>
      %dma_wait3A_346 = tpu.memref_squeeze %dma_wait3A_345 : memref<1x8x4096xf32, #tpu.memory_space<vmem>> -> memref<8x4096xf32, #tpu.memory_space<vmem>>
      tpu.wait_dma2 semaphore(%run_scoped3A_322 : memref<!tpu.dma_semaphore, #tpu.memory_space<semaphore_mem>>) src(%dma_wait3A_346 : memref<8x4096xf32, #tpu.memory_space<vmem>>) dst(%dma_wait3A_342 : memref<8x4096xf32, #tpu.memory_space<hbm>>)
      tpu.yield
    }) : () -> ()
    %dma_wait3A_148 = arith.constant 0 : i32
    %dma_wait3A_149 = arith.constant 0 : i32
    %dma_wait3A_150 = arith.constant 0 : i32
    %dma_wait3A_151 = tpu.memref_slice %arg6[%dma_wait3A_148, %dma_wait3A_149, %dma_wait3A_150] : memref<2x8x4096xf32, #tpu.memory_space<vmem>> -> memref<1x8x4096xf32, #tpu.memory_space<vmem>>
    %dma_wait3A_152 = tpu.memref_squeeze %dma_wait3A_151 : memref<1x8x4096xf32, #tpu.memory_space<vmem>> -> memref<8x4096xf32, #tpu.memory_space<vmem>>
    %dma_wait3A_153 = arith.constant 48 : i32
    %dma_wait3A_154 = tpu.memref_slice %arg5[%dma_wait3A_153] : memref<112xi32, #tpu.memory_space<vmem>> -> memref<8xi32, #tpu.memory_space<vmem>>
    %dma_wait3A_155 = arith.constant 0 : i32
    %dma_wait3A_156 = arith.constant 0 : i32
    %dma_wait3A_157 = tpu.memref_slice %arg2[%dma_wait3A_155, %dma_wait3A_156] : memref<1792x4096xf32, #tpu.memory_space<hbm>> -> memref<1792x4096xf32, #tpu.memory_space<hbm>>
    tpu.wait_indirect_dma semaphore(%arg7 : memref<!tpu.dma_semaphore, #tpu.memory_space<semaphore_mem>>) src(%dma_wait3A_157 : memref<1792x4096xf32, #tpu.memory_space<hbm>>) dst(%dma_wait3A_152 : memref<8x4096xf32, #tpu.memory_space<vmem>>)
    %dma_start3A_158 = arith.constant 1 : i32
    %dma_start3A_159 = arith.constant 0 : i32
    %dma_start3A_160 = arith.constant 0 : i32
    %dma_start3A_161 = tpu.memref_slice %arg6[%dma_start3A_158, %dma_start3A_159, %dma_start3A_160] : memref<2x8x4096xf32, #tpu.memory_space<vmem>> -> memref<1x8x4096xf32, #tpu.memory_space<vmem>>
    %dma_start3A_162 = tpu.memref_squeeze %dma_start3A_161 : memref<1x8x4096xf32, #tpu.memory_space<vmem>> -> memref<8x4096xf32, #tpu.memory_space<vmem>>
    %dma_start3A_163 = arith.constant 56 : i32
    %dma_start3A_164 = tpu.memref_slice %arg5[%dma_start3A_163] : memref<112xi32, #tpu.memory_space<vmem>> -> memref<8xi32, #tpu.memory_space<vmem>>
    %dma_start3A_165 = arith.constant 0 : i32
    %dma_start3A_166 = arith.constant 0 : i32
    %dma_start3A_167 = tpu.memref_slice %arg2[%dma_start3A_165, %dma_start3A_166] : memref<1792x4096xf32, #tpu.memory_space<hbm>> -> memref<1792x4096xf32, #tpu.memory_space<hbm>>
    tpu.enqueue_indirect_dma source(%dma_start3A_167 : memref<1792x4096xf32, #tpu.memory_space<hbm>>) target(%dma_start3A_162 : memref<8x4096xf32, #tpu.memory_space<vmem>>) offsets(%dma_start3A_164 : memref<8xi32, #tpu.memory_space<vmem>>) semaphore(%arg8 : memref<!tpu.dma_semaphore, #tpu.memory_space<semaphore_mem>>)
    %add3A_168 = arith.constant 48 : i32
    %add3A_169 = arith.addi %mul3A_2, %add3A_168 : i32
    %run_scoped3A_170 = arith.constant 0 : i32
    "tpu.region"() ({
      %run_scoped3A_322 = tpu.sem_alloc : memref<!tpu.dma_semaphore, #tpu.memory_space<semaphore_mem>>
      %dma_start3A_323 = arith.constant 0 : i32
      %dma_start3A_324 = arith.constant 0 : i32
      %dma_start3A_325 = tpu.memref_slice %arg6[%run_scoped3A_170, %dma_start3A_323, %dma_start3A_324] : memref<2x8x4096xf32, #tpu.memory_space<vmem>> -> memref<1x8x4096xf32, #tpu.memory_space<vmem>>
      %dma_start3A_326 = tpu.memref_squeeze %dma_start3A_325 : memref<1x8x4096xf32, #tpu.memory_space<vmem>> -> memref<8x4096xf32, #tpu.memory_space<vmem>>
      %dma_start3A_327 = arith.constant 0 : i32
      %dma_start3A_328 = tpu.memref_slice %arg4[%add3A_169, %dma_start3A_327] : memref<3584x4096xf32, #tpu.memory_space<hbm>> -> memref<8x4096xf32, #tpu.memory_space<hbm>>
      %dma_start3A_329 = arith.constant 0 : i32
      %dma_start3A_330 = tpu.memref_slice %arg4[%add3A_169, %dma_start3A_329] : memref<3584x4096xf32, #tpu.memory_space<hbm>> -> memref<8x4096xf32, #tpu.memory_space<hbm>>
      %dma_start3A_331 = arith.constant 0 : i32
      %dma_start3A_332 = arith.constant 0 : i32
      %dma_start3A_333 = tpu.memref_slice %arg6[%run_scoped3A_170, %dma_start3A_331, %dma_start3A_332] : memref<2x8x4096xf32, #tpu.memory_space<vmem>> -> memref<1x8x4096xf32, #tpu.memory_space<vmem>>
      %dma_start3A_334 = tpu.memref_squeeze %dma_start3A_333 : memref<1x8x4096xf32, #tpu.memory_space<vmem>> -> memref<8x4096xf32, #tpu.memory_space<vmem>>
      tpu.enqueue_dma source(%dma_start3A_334 : memref<8x4096xf32, #tpu.memory_space<vmem>>) target(%dma_start3A_330 : memref<8x4096xf32, #tpu.memory_space<hbm>>) target_semaphore(%run_scoped3A_322 : memref<!tpu.dma_semaphore, #tpu.memory_space<semaphore_mem>>)
      %dma_wait3A_335 = arith.constant 0 : i32
      %dma_wait3A_336 = arith.constant 0 : i32
      %dma_wait3A_337 = tpu.memref_slice %arg6[%run_scoped3A_170, %dma_wait3A_335, %dma_wait3A_336] : memref<2x8x4096xf32, #tpu.memory_space<vmem>> -> memref<1x8x4096xf32, #tpu.memory_space<vmem>>
      %dma_wait3A_338 = tpu.memref_squeeze %dma_wait3A_337 : memref<1x8x4096xf32, #tpu.memory_space<vmem>> -> memref<8x4096xf32, #tpu.memory_space<vmem>>
      %dma_wait3A_339 = arith.constant 0 : i32
      %dma_wait3A_340 = tpu.memref_slice %arg4[%add3A_169, %dma_wait3A_339] : memref<3584x4096xf32, #tpu.memory_space<hbm>> -> memref<8x4096xf32, #tpu.memory_space<hbm>>
      %dma_wait3A_341 = arith.constant 0 : i32
      %dma_wait3A_342 = tpu.memref_slice %arg4[%add3A_169, %dma_wait3A_341] : memref<3584x4096xf32, #tpu.memory_space<hbm>> -> memref<8x4096xf32, #tpu.memory_space<hbm>>
      %dma_wait3A_343 = arith.constant 0 : i32
      %dma_wait3A_344 = arith.constant 0 : i32
      %dma_wait3A_345 = tpu.memref_slice %arg6[%run_scoped3A_170, %dma_wait3A_343, %dma_wait3A_344] : memref<2x8x4096xf32, #tpu.memory_space<vmem>> -> memref<1x8x4096xf32, #tpu.memory_space<vmem>>
      %dma_wait3A_346 = tpu.memref_squeeze %dma_wait3A_345 : memref<1x8x4096xf32, #tpu.memory_space<vmem>> -> memref<8x4096xf32, #tpu.memory_space<vmem>>
      tpu.wait_dma2 semaphore(%run_scoped3A_322 : memref<!tpu.dma_semaphore, #tpu.memory_space<semaphore_mem>>) src(%dma_wait3A_346 : memref<8x4096xf32, #tpu.memory_space<vmem>>) dst(%dma_wait3A_342 : memref<8x4096xf32, #tpu.memory_space<hbm>>)
      tpu.yield
    }) : () -> ()
    %dma_wait3A_171 = arith.constant 1 : i32
    %dma_wait3A_172 = arith.constant 0 : i32
    %dma_wait3A_173 = arith.constant 0 : i32
    %dma_wait3A_174 = tpu.memref_slice %arg6[%dma_wait3A_171, %dma_wait3A_172, %dma_wait3A_173] : memref<2x8x4096xf32, #tpu.memory_space<vmem>> -> memref<1x8x4096xf32, #tpu.memory_space<vmem>>
    %dma_wait3A_175 = tpu.memref_squeeze %dma_wait3A_174 : memref<1x8x4096xf32, #tpu.memory_space<vmem>> -> memref<8x4096xf32, #tpu.memory_space<vmem>>
    %dma_wait3A_176 = arith.constant 56 : i32
    %dma_wait3A_177 = tpu.memref_slice %arg5[%dma_wait3A_176] : memref<112xi32, #tpu.memory_space<vmem>> -> memref<8xi32, #tpu.memory_space<vmem>>
    %dma_wait3A_178 = arith.constant 0 : i32
    %dma_wait3A_179 = arith.constant 0 : i32
    %dma_wait3A_180 = tpu.memref_slice %arg2[%dma_wait3A_178, %dma_wait3A_179] : memref<1792x4096xf32, #tpu.memory_space<hbm>> -> memref<1792x4096xf32, #tpu.memory_space<hbm>>
    tpu.wait_indirect_dma semaphore(%arg8 : memref<!tpu.dma_semaphore, #tpu.memory_space<semaphore_mem>>) src(%dma_wait3A_180 : memref<1792x4096xf32, #tpu.memory_space<hbm>>) dst(%dma_wait3A_175 : memref<8x4096xf32, #tpu.memory_space<vmem>>)
    %dma_start3A_181 = arith.constant 0 : i32
    %dma_start3A_182 = arith.constant 0 : i32
    %dma_start3A_183 = arith.constant 0 : i32
    %dma_start3A_184 = tpu.memref_slice %arg6[%dma_start3A_181, %dma_start3A_182, %dma_start3A_183] : memref<2x8x4096xf32, #tpu.memory_space<vmem>> -> memref<1x8x4096xf32, #tpu.memory_space<vmem>>
    %dma_start3A_185 = tpu.memref_squeeze %dma_start3A_184 : memref<1x8x4096xf32, #tpu.memory_space<vmem>> -> memref<8x4096xf32, #tpu.memory_space<vmem>>
    %dma_start3A_186 = arith.constant 64 : i32
    %dma_start3A_187 = tpu.memref_slice %arg5[%dma_start3A_186] : memref<112xi32, #tpu.memory_space<vmem>> -> memref<8xi32, #tpu.memory_space<vmem>>
    %dma_start3A_188 = arith.constant 0 : i32
    %dma_start3A_189 = arith.constant 0 : i32
    %dma_start3A_190 = tpu.memref_slice %arg2[%dma_start3A_188, %dma_start3A_189] : memref<1792x4096xf32, #tpu.memory_space<hbm>> -> memref<1792x4096xf32, #tpu.memory_space<hbm>>
    tpu.enqueue_indirect_dma source(%dma_start3A_190 : memref<1792x4096xf32, #tpu.memory_space<hbm>>) target(%dma_start3A_185 : memref<8x4096xf32, #tpu.memory_space<vmem>>) offsets(%dma_start3A_187 : memref<8xi32, #tpu.memory_space<vmem>>) semaphore(%arg7 : memref<!tpu.dma_semaphore, #tpu.memory_space<semaphore_mem>>)
    %add3A_191 = arith.constant 56 : i32
    %add3A_192 = arith.addi %mul3A_2, %add3A_191 : i32
    %run_scoped3A_193 = arith.constant 1 : i32
    "tpu.region"() ({
      %run_scoped3A_322 = tpu.sem_alloc : memref<!tpu.dma_semaphore, #tpu.memory_space<semaphore_mem>>
      %dma_start3A_323 = arith.constant 0 : i32
      %dma_start3A_324 = arith.constant 0 : i32
      %dma_start3A_325 = tpu.memref_slice %arg6[%run_scoped3A_193, %dma_start3A_323, %dma_start3A_324] : memref<2x8x4096xf32, #tpu.memory_space<vmem>> -> memref<1x8x4096xf32, #tpu.memory_space<vmem>>
      %dma_start3A_326 = tpu.memref_squeeze %dma_start3A_325 : memref<1x8x4096xf32, #tpu.memory_space<vmem>> -> memref<8x4096xf32, #tpu.memory_space<vmem>>
      %dma_start3A_327 = arith.constant 0 : i32
      %dma_start3A_328 = tpu.memref_slice %arg4[%add3A_192, %dma_start3A_327] : memref<3584x4096xf32, #tpu.memory_space<hbm>> -> memref<8x4096xf32, #tpu.memory_space<hbm>>
      %dma_start3A_329 = arith.constant 0 : i32
      %dma_start3A_330 = tpu.memref_slice %arg4[%add3A_192, %dma_start3A_329] : memref<3584x4096xf32, #tpu.memory_space<hbm>> -> memref<8x4096xf32, #tpu.memory_space<hbm>>
      %dma_start3A_331 = arith.constant 0 : i32
      %dma_start3A_332 = arith.constant 0 : i32
      %dma_start3A_333 = tpu.memref_slice %arg6[%run_scoped3A_193, %dma_start3A_331, %dma_start3A_332] : memref<2x8x4096xf32, #tpu.memory_space<vmem>> -> memref<1x8x4096xf32, #tpu.memory_space<vmem>>
      %dma_start3A_334 = tpu.memref_squeeze %dma_start3A_333 : memref<1x8x4096xf32, #tpu.memory_space<vmem>> -> memref<8x4096xf32, #tpu.memory_space<vmem>>
      tpu.enqueue_dma source(%dma_start3A_334 : memref<8x4096xf32, #tpu.memory_space<vmem>>) target(%dma_start3A_330 : memref<8x4096xf32, #tpu.memory_space<hbm>>) target_semaphore(%run_scoped3A_322 : memref<!tpu.dma_semaphore, #tpu.memory_space<semaphore_mem>>)
      %dma_wait3A_335 = arith.constant 0 : i32
      %dma_wait3A_336 = arith.constant 0 : i32
      %dma_wait3A_337 = tpu.memref_slice %arg6[%run_scoped3A_193, %dma_wait3A_335, %dma_wait3A_336] : memref<2x8x4096xf32, #tpu.memory_space<vmem>> -> memref<1x8x4096xf32, #tpu.memory_space<vmem>>
      %dma_wait3A_338 = tpu.memref_squeeze %dma_wait3A_337 : memref<1x8x4096xf32, #tpu.memory_space<vmem>> -> memref<8x4096xf32, #tpu.memory_space<vmem>>
      %dma_wait3A_339 = arith.constant 0 : i32
      %dma_wait3A_340 = tpu.memref_slice %arg4[%add3A_192, %dma_wait3A_339] : memref<3584x4096xf32, #tpu.memory_space<hbm>> -> memref<8x4096xf32, #tpu.memory_space<hbm>>
      %dma_wait3A_341 = arith.constant 0 : i32
      %dma_wait3A_342 = tpu.memref_slice %arg4[%add3A_192, %dma_wait3A_341] : memref<3584x4096xf32, #tpu.memory_space<hbm>> -> memref<8x4096xf32, #tpu.memory_space<hbm>>
      %dma_wait3A_343 = arith.constant 0 : i32
      %dma_wait3A_344 = arith.constant 0 : i32
      %dma_wait3A_345 = tpu.memref_slice %arg6[%run_scoped3A_193, %dma_wait3A_343, %dma_wait3A_344] : memref<2x8x4096xf32, #tpu.memory_space<vmem>> -> memref<1x8x4096xf32, #tpu.memory_space<vmem>>
      %dma_wait3A_346 = tpu.memref_squeeze %dma_wait3A_345 : memref<1x8x4096xf32, #tpu.memory_space<vmem>> -> memref<8x4096xf32, #tpu.memory_space<vmem>>
      tpu.wait_dma2 semaphore(%run_scoped3A_322 : memref<!tpu.dma_semaphore, #tpu.memory_space<semaphore_mem>>) src(%dma_wait3A_346 : memref<8x4096xf32, #tpu.memory_space<vmem>>) dst(%dma_wait3A_342 : memref<8x4096xf32, #tpu.memory_space<hbm>>)
      tpu.yield
    }) : () -> ()
    %dma_wait3A_194 = arith.constant 0 : i32
    %dma_wait3A_195 = arith.constant 0 : i32
    %dma_wait3A_196 = arith.constant 0 : i32
    %dma_wait3A_197 = tpu.memref_slice %arg6[%dma_wait3A_194, %dma_wait3A_195, %dma_wait3A_196] : memref<2x8x4096xf32, #tpu.memory_space<vmem>> -> memref<1x8x4096xf32, #tpu.memory_space<vmem>>
    %dma_wait3A_198 = tpu.memref_squeeze %dma_wait3A_197 : memref<1x8x4096xf32, #tpu.memory_space<vmem>> -> memref<8x4096xf32, #tpu.memory_space<vmem>>
    %dma_wait3A_199 = arith.constant 64 : i32
    %dma_wait3A_200 = tpu.memref_slice %arg5[%dma_wait3A_199] : memref<112xi32, #tpu.memory_space<vmem>> -> memref<8xi32, #tpu.memory_space<vmem>>
    %dma_wait3A_201 = arith.constant 0 : i32
    %dma_wait3A_202 = arith.constant 0 : i32
    %dma_wait3A_203 = tpu.memref_slice %arg2[%dma_wait3A_201, %dma_wait3A_202] : memref<1792x4096xf32, #tpu.memory_space<hbm>> -> memref<1792x4096xf32, #tpu.memory_space<hbm>>
    tpu.wait_indirect_dma semaphore(%arg7 : memref<!tpu.dma_semaphore, #tpu.memory_space<semaphore_mem>>) src(%dma_wait3A_203 : memref<1792x4096xf32, #tpu.memory_space<hbm>>) dst(%dma_wait3A_198 : memref<8x4096xf32, #tpu.memory_space<vmem>>)
    %dma_start3A_204 = arith.constant 1 : i32
    %dma_start3A_205 = arith.constant 0 : i32
    %dma_start3A_206 = arith.constant 0 : i32
    %dma_start3A_207 = tpu.memref_slice %arg6[%dma_start3A_204, %dma_start3A_205, %dma_start3A_206] : memref<2x8x4096xf32, #tpu.memory_space<vmem>> -> memref<1x8x4096xf32, #tpu.memory_space<vmem>>
    %dma_start3A_208 = tpu.memref_squeeze %dma_start3A_207 : memref<1x8x4096xf32, #tpu.memory_space<vmem>> -> memref<8x4096xf32, #tpu.memory_space<vmem>>
    %dma_start3A_209 = arith.constant 72 : i32
    %dma_start3A_210 = tpu.memref_slice %arg5[%dma_start3A_209] : memref<112xi32, #tpu.memory_space<vmem>> -> memref<8xi32, #tpu.memory_space<vmem>>
    %dma_start3A_211 = arith.constant 0 : i32
    %dma_start3A_212 = arith.constant 0 : i32
    %dma_start3A_213 = tpu.memref_slice %arg2[%dma_start3A_211, %dma_start3A_212] : memref<1792x4096xf32, #tpu.memory_space<hbm>> -> memref<1792x4096xf32, #tpu.memory_space<hbm>>
    tpu.enqueue_indirect_dma source(%dma_start3A_213 : memref<1792x4096xf32, #tpu.memory_space<hbm>>) target(%dma_start3A_208 : memref<8x4096xf32, #tpu.memory_space<vmem>>) offsets(%dma_start3A_210 : memref<8xi32, #tpu.memory_space<vmem>>) semaphore(%arg8 : memref<!tpu.dma_semaphore, #tpu.memory_space<semaphore_mem>>)
    %add3A_214 = arith.constant 64 : i32
    %add3A_215 = arith.addi %mul3A_2, %add3A_214 : i32
    %run_scoped3A_216 = arith.constant 0 : i32
    "tpu.region"() ({
      %run_scoped3A_322 = tpu.sem_alloc : memref<!tpu.dma_semaphore, #tpu.memory_space<semaphore_mem>>
      %dma_start3A_323 = arith.constant 0 : i32
      %dma_start3A_324 = arith.constant 0 : i32
      %dma_start3A_325 = tpu.memref_slice %arg6[%run_scoped3A_216, %dma_start3A_323, %dma_start3A_324] : memref<2x8x4096xf32, #tpu.memory_space<vmem>> -> memref<1x8x4096xf32, #tpu.memory_space<vmem>>
      %dma_start3A_326 = tpu.memref_squeeze %dma_start3A_325 : memref<1x8x4096xf32, #tpu.memory_space<vmem>> -> memref<8x4096xf32, #tpu.memory_space<vmem>>
      %dma_start3A_327 = arith.constant 0 : i32
      %dma_start3A_328 = tpu.memref_slice %arg4[%add3A_215, %dma_start3A_327] : memref<3584x4096xf32, #tpu.memory_space<hbm>> -> memref<8x4096xf32, #tpu.memory_space<hbm>>
      %dma_start3A_329 = arith.constant 0 : i32
      %dma_start3A_330 = tpu.memref_slice %arg4[%add3A_215, %dma_start3A_329] : memref<3584x4096xf32, #tpu.memory_space<hbm>> -> memref<8x4096xf32, #tpu.memory_space<hbm>>
      %dma_start3A_331 = arith.constant 0 : i32
      %dma_start3A_332 = arith.constant 0 : i32
      %dma_start3A_333 = tpu.memref_slice %arg6[%run_scoped3A_216, %dma_start3A_331, %dma_start3A_332] : memref<2x8x4096xf32, #tpu.memory_space<vmem>> -> memref<1x8x4096xf32, #tpu.memory_space<vmem>>
      %dma_start3A_334 = tpu.memref_squeeze %dma_start3A_333 : memref<1x8x4096xf32, #tpu.memory_space<vmem>> -> memref<8x4096xf32, #tpu.memory_space<vmem>>
      tpu.enqueue_dma source(%dma_start3A_334 : memref<8x4096xf32, #tpu.memory_space<vmem>>) target(%dma_start3A_330 : memref<8x4096xf32, #tpu.memory_space<hbm>>) target_semaphore(%run_scoped3A_322 : memref<!tpu.dma_semaphore, #tpu.memory_space<semaphore_mem>>)
      %dma_wait3A_335 = arith.constant 0 : i32
      %dma_wait3A_336 = arith.constant 0 : i32
      %dma_wait3A_337 = tpu.memref_slice %arg6[%run_scoped3A_216, %dma_wait3A_335, %dma_wait3A_336] : memref<2x8x4096xf32, #tpu.memory_space<vmem>> -> memref<1x8x4096xf32, #tpu.memory_space<vmem>>
      %dma_wait3A_338 = tpu.memref_squeeze %dma_wait3A_337 : memref<1x8x4096xf32, #tpu.memory_space<vmem>> -> memref<8x4096xf32, #tpu.memory_space<vmem>>
      %dma_wait3A_339 = arith.constant 0 : i32
      %dma_wait3A_340 = tpu.memref_slice %arg4[%add3A_215, %dma_wait3A_339] : memref<3584x4096xf32, #tpu.memory_space<hbm>> -> memref<8x4096xf32, #tpu.memory_space<hbm>>
      %dma_wait3A_341 = arith.constant 0 : i32
      %dma_wait3A_342 = tpu.memref_slice %arg4[%add3A_215, %dma_wait3A_341] : memref<3584x4096xf32, #tpu.memory_space<hbm>> -> memref<8x4096xf32, #tpu.memory_space<hbm>>
      %dma_wait3A_343 = arith.constant 0 : i32
      %dma_wait3A_344 = arith.constant 0 : i32
      %dma_wait3A_345 = tpu.memref_slice %arg6[%run_scoped3A_216, %dma_wait3A_343, %dma_wait3A_344] : memref<2x8x4096xf32, #tpu.memory_space<vmem>> -> memref<1x8x4096xf32, #tpu.memory_space<vmem>>
      %dma_wait3A_346 = tpu.memref_squeeze %dma_wait3A_345 : memref<1x8x4096xf32, #tpu.memory_space<vmem>> -> memref<8x4096xf32, #tpu.memory_space<vmem>>
      tpu.wait_dma2 semaphore(%run_scoped3A_322 : memref<!tpu.dma_semaphore, #tpu.memory_space<semaphore_mem>>) src(%dma_wait3A_346 : memref<8x4096xf32, #tpu.memory_space<vmem>>) dst(%dma_wait3A_342 : memref<8x4096xf32, #tpu.memory_space<hbm>>)
      tpu.yield
    }) : () -> ()
    %dma_wait3A_217 = arith.constant 1 : i32
    %dma_wait3A_218 = arith.constant 0 : i32
    %dma_wait3A_219 = arith.constant 0 : i32
    %dma_wait3A_220 = tpu.memref_slice %arg6[%dma_wait3A_217, %dma_wait3A_218, %dma_wait3A_219] : memref<2x8x4096xf32, #tpu.memory_space<vmem>> -> memref<1x8x4096xf32, #tpu.memory_space<vmem>>
    %dma_wait3A_221 = tpu.memref_squeeze %dma_wait3A_220 : memref<1x8x4096xf32, #tpu.memory_space<vmem>> -> memref<8x4096xf32, #tpu.memory_space<vmem>>
    %dma_wait3A_222 = arith.constant 72 : i32
    %dma_wait3A_223 = tpu.memref_slice %arg5[%dma_wait3A_222] : memref<112xi32, #tpu.memory_space<vmem>> -> memref<8xi32, #tpu.memory_space<vmem>>
    %dma_wait3A_224 = arith.constant 0 : i32
    %dma_wait3A_225 = arith.constant 0 : i32
    %dma_wait3A_226 = tpu.memref_slice %arg2[%dma_wait3A_224, %dma_wait3A_225] : memref<1792x4096xf32, #tpu.memory_space<hbm>> -> memref<1792x4096xf32, #tpu.memory_space<hbm>>
    tpu.wait_indirect_dma semaphore(%arg8 : memref<!tpu.dma_semaphore, #tpu.memory_space<semaphore_mem>>) src(%dma_wait3A_226 : memref<1792x4096xf32, #tpu.memory_space<hbm>>) dst(%dma_wait3A_221 : memref<8x4096xf32, #tpu.memory_space<vmem>>)
    %dma_start3A_227 = arith.constant 0 : i32
    %dma_start3A_228 = arith.constant 0 : i32
    %dma_start3A_229 = arith.constant 0 : i32
    %dma_start3A_230 = tpu.memref_slice %arg6[%dma_start3A_227, %dma_start3A_228, %dma_start3A_229] : memref<2x8x4096xf32, #tpu.memory_space<vmem>> -> memref<1x8x4096xf32, #tpu.memory_space<vmem>>
    %dma_start3A_231 = tpu.memref_squeeze %dma_start3A_230 : memref<1x8x4096xf32, #tpu.memory_space<vmem>> -> memref<8x4096xf32, #tpu.memory_space<vmem>>
    %dma_start3A_232 = arith.constant 80 : i32
    %dma_start3A_233 = tpu.memref_slice %arg5[%dma_start3A_232] : memref<112xi32, #tpu.memory_space<vmem>> -> memref<8xi32, #tpu.memory_space<vmem>>
    %dma_start3A_234 = arith.constant 0 : i32
    %dma_start3A_235 = arith.constant 0 : i32
    %dma_start3A_236 = tpu.memref_slice %arg2[%dma_start3A_234, %dma_start3A_235] : memref<1792x4096xf32, #tpu.memory_space<hbm>> -> memref<1792x4096xf32, #tpu.memory_space<hbm>>
    tpu.enqueue_indirect_dma source(%dma_start3A_236 : memref<1792x4096xf32, #tpu.memory_space<hbm>>) target(%dma_start3A_231 : memref<8x4096xf32, #tpu.memory_space<vmem>>) offsets(%dma_start3A_233 : memref<8xi32, #tpu.memory_space<vmem>>) semaphore(%arg7 : memref<!tpu.dma_semaphore, #tpu.memory_space<semaphore_mem>>)
    %add3A_237 = arith.constant 72 : i32
    %add3A_238 = arith.addi %mul3A_2, %add3A_237 : i32
    %run_scoped3A_239 = arith.constant 1 : i32
    "tpu.region"() ({
      %run_scoped3A_322 = tpu.sem_alloc : memref<!tpu.dma_semaphore, #tpu.memory_space<semaphore_mem>>
      %dma_start3A_323 = arith.constant 0 : i32
      %dma_start3A_324 = arith.constant 0 : i32
      %dma_start3A_325 = tpu.memref_slice %arg6[%run_scoped3A_239, %dma_start3A_323, %dma_start3A_324] : memref<2x8x4096xf32, #tpu.memory_space<vmem>> -> memref<1x8x4096xf32, #tpu.memory_space<vmem>>
      %dma_start3A_326 = tpu.memref_squeeze %dma_start3A_325 : memref<1x8x4096xf32, #tpu.memory_space<vmem>> -> memref<8x4096xf32, #tpu.memory_space<vmem>>
      %dma_start3A_327 = arith.constant 0 : i32
      %dma_start3A_328 = tpu.memref_slice %arg4[%add3A_238, %dma_start3A_327] : memref<3584x4096xf32, #tpu.memory_space<hbm>> -> memref<8x4096xf32, #tpu.memory_space<hbm>>
      %dma_start3A_329 = arith.constant 0 : i32
      %dma_start3A_330 = tpu.memref_slice %arg4[%add3A_238, %dma_start3A_329] : memref<3584x4096xf32, #tpu.memory_space<hbm>> -> memref<8x4096xf32, #tpu.memory_space<hbm>>
      %dma_start3A_331 = arith.constant 0 : i32
      %dma_start3A_332 = arith.constant 0 : i32
      %dma_start3A_333 = tpu.memref_slice %arg6[%run_scoped3A_239, %dma_start3A_331, %dma_start3A_332] : memref<2x8x4096xf32, #tpu.memory_space<vmem>> -> memref<1x8x4096xf32, #tpu.memory_space<vmem>>
      %dma_start3A_334 = tpu.memref_squeeze %dma_start3A_333 : memref<1x8x4096xf32, #tpu.memory_space<vmem>> -> memref<8x4096xf32, #tpu.memory_space<vmem>>
      tpu.enqueue_dma source(%dma_start3A_334 : memref<8x4096xf32, #tpu.memory_space<vmem>>) target(%dma_start3A_330 : memref<8x4096xf32, #tpu.memory_space<hbm>>) target_semaphore(%run_scoped3A_322 : memref<!tpu.dma_semaphore, #tpu.memory_space<semaphore_mem>>)
      %dma_wait3A_335 = arith.constant 0 : i32
      %dma_wait3A_336 = arith.constant 0 : i32
      %dma_wait3A_337 = tpu.memref_slice %arg6[%run_scoped3A_239, %dma_wait3A_335, %dma_wait3A_336] : memref<2x8x4096xf32, #tpu.memory_space<vmem>> -> memref<1x8x4096xf32, #tpu.memory_space<vmem>>
      %dma_wait3A_338 = tpu.memref_squeeze %dma_wait3A_337 : memref<1x8x4096xf32, #tpu.memory_space<vmem>> -> memref<8x4096xf32, #tpu.memory_space<vmem>>
      %dma_wait3A_339 = arith.constant 0 : i32
      %dma_wait3A_340 = tpu.memref_slice %arg4[%add3A_238, %dma_wait3A_339] : memref<3584x4096xf32, #tpu.memory_space<hbm>> -> memref<8x4096xf32, #tpu.memory_space<hbm>>
      %dma_wait3A_341 = arith.constant 0 : i32
      %dma_wait3A_342 = tpu.memref_slice %arg4[%add3A_238, %dma_wait3A_341] : memref<3584x4096xf32, #tpu.memory_space<hbm>> -> memref<8x4096xf32, #tpu.memory_space<hbm>>
      %dma_wait3A_343 = arith.constant 0 : i32
      %dma_wait3A_344 = arith.constant 0 : i32
      %dma_wait3A_345 = tpu.memref_slice %arg6[%run_scoped3A_239, %dma_wait3A_343, %dma_wait3A_344] : memref<2x8x4096xf32, #tpu.memory_space<vmem>> -> memref<1x8x4096xf32, #tpu.memory_space<vmem>>
      %dma_wait3A_346 = tpu.memref_squeeze %dma_wait3A_345 : memref<1x8x4096xf32, #tpu.memory_space<vmem>> -> memref<8x4096xf32, #tpu.memory_space<vmem>>
      tpu.wait_dma2 semaphore(%run_scoped3A_322 : memref<!tpu.dma_semaphore, #tpu.memory_space<semaphore_mem>>) src(%dma_wait3A_346 : memref<8x4096xf32, #tpu.memory_space<vmem>>) dst(%dma_wait3A_342 : memref<8x4096xf32, #tpu.memory_space<hbm>>)
      tpu.yield
    }) : () -> ()
    %dma_wait3A_240 = arith.constant 0 : i32
    %dma_wait3A_241 = arith.constant 0 : i32
    %dma_wait3A_242 = arith.constant 0 : i32
    %dma_wait3A_243 = tpu.memref_slice %arg6[%dma_wait3A_240, %dma_wait3A_241, %dma_wait3A_242] : memref<2x8x4096xf32, #tpu.memory_space<vmem>> -> memref<1x8x4096xf32, #tpu.memory_space<vmem>>
    %dma_wait3A_244 = tpu.memref_squeeze %dma_wait3A_243 : memref<1x8x4096xf32, #tpu.memory_space<vmem>> -> memref<8x4096xf32, #tpu.memory_space<vmem>>
    %dma_wait3A_245 = arith.constant 80 : i32
    %dma_wait3A_246 = tpu.memref_slice %arg5[%dma_wait3A_245] : memref<112xi32, #tpu.memory_space<vmem>> -> memref<8xi32, #tpu.memory_space<vmem>>
    %dma_wait3A_247 = arith.constant 0 : i32
    %dma_wait3A_248 = arith.constant 0 : i32
    %dma_wait3A_249 = tpu.memref_slice %arg2[%dma_wait3A_247, %dma_wait3A_248] : memref<1792x4096xf32, #tpu.memory_space<hbm>> -> memref<1792x4096xf32, #tpu.memory_space<hbm>>
    tpu.wait_indirect_dma semaphore(%arg7 : memref<!tpu.dma_semaphore, #tpu.memory_space<semaphore_mem>>) src(%dma_wait3A_249 : memref<1792x4096xf32, #tpu.memory_space<hbm>>) dst(%dma_wait3A_244 : memref<8x4096xf32, #tpu.memory_space<vmem>>)
    %dma_start3A_250 = arith.constant 1 : i32
    %dma_start3A_251 = arith.constant 0 : i32
    %dma_start3A_252 = arith.constant 0 : i32
    %dma_start3A_253 = tpu.memref_slice %arg6[%dma_start3A_250, %dma_start3A_251, %dma_start3A_252] : memref<2x8x4096xf32, #tpu.memory_space<vmem>> -> memref<1x8x4096xf32, #tpu.memory_space<vmem>>
    %dma_start3A_254 = tpu.memref_squeeze %dma_start3A_253 : memref<1x8x4096xf32, #tpu.memory_space<vmem>> -> memref<8x4096xf32, #tpu.memory_space<vmem>>
    %dma_start3A_255 = arith.constant 88 : i32
    %dma_start3A_256 = tpu.memref_slice %arg5[%dma_start3A_255] : memref<112xi32, #tpu.memory_space<vmem>> -> memref<8xi32, #tpu.memory_space<vmem>>
    %dma_start3A_257 = arith.constant 0 : i32
    %dma_start3A_258 = arith.constant 0 : i32
    %dma_start3A_259 = tpu.memref_slice %arg2[%dma_start3A_257, %dma_start3A_258] : memref<1792x4096xf32, #tpu.memory_space<hbm>> -> memref<1792x4096xf32, #tpu.memory_space<hbm>>
    tpu.enqueue_indirect_dma source(%dma_start3A_259 : memref<1792x4096xf32, #tpu.memory_space<hbm>>) target(%dma_start3A_254 : memref<8x4096xf32, #tpu.memory_space<vmem>>) offsets(%dma_start3A_256 : memref<8xi32, #tpu.memory_space<vmem>>) semaphore(%arg8 : memref<!tpu.dma_semaphore, #tpu.memory_space<semaphore_mem>>)
    %add3A_260 = arith.constant 80 : i32
    %add3A_261 = arith.addi %mul3A_2, %add3A_260 : i32
    %run_scoped3A_262 = arith.constant 0 : i32
    "tpu.region"() ({
      %run_scoped3A_322 = tpu.sem_alloc : memref<!tpu.dma_semaphore, #tpu.memory_space<semaphore_mem>>
      %dma_start3A_323 = arith.constant 0 : i32
      %dma_start3A_324 = arith.constant 0 : i32
      %dma_start3A_325 = tpu.memref_slice %arg6[%run_scoped3A_262, %dma_start3A_323, %dma_start3A_324] : memref<2x8x4096xf32, #tpu.memory_space<vmem>> -> memref<1x8x4096xf32, #tpu.memory_space<vmem>>
      %dma_start3A_326 = tpu.memref_squeeze %dma_start3A_325 : memref<1x8x4096xf32, #tpu.memory_space<vmem>> -> memref<8x4096xf32, #tpu.memory_space<vmem>>
      %dma_start3A_327 = arith.constant 0 : i32
      %dma_start3A_328 = tpu.memref_slice %arg4[%add3A_261, %dma_start3A_327] : memref<3584x4096xf32, #tpu.memory_space<hbm>> -> memref<8x4096xf32, #tpu.memory_space<hbm>>
      %dma_start3A_329 = arith.constant 0 : i32
      %dma_start3A_330 = tpu.memref_slice %arg4[%add3A_261, %dma_start3A_329] : memref<3584x4096xf32, #tpu.memory_space<hbm>> -> memref<8x4096xf32, #tpu.memory_space<hbm>>
      %dma_start3A_331 = arith.constant 0 : i32
      %dma_start3A_332 = arith.constant 0 : i32
      %dma_start3A_333 = tpu.memref_slice %arg6[%run_scoped3A_262, %dma_start3A_331, %dma_start3A_332] : memref<2x8x4096xf32, #tpu.memory_space<vmem>> -> memref<1x8x4096xf32, #tpu.memory_space<vmem>>
      %dma_start3A_334 = tpu.memref_squeeze %dma_start3A_333 : memref<1x8x4096xf32, #tpu.memory_space<vmem>> -> memref<8x4096xf32, #tpu.memory_space<vmem>>
      tpu.enqueue_dma source(%dma_start3A_334 : memref<8x4096xf32, #tpu.memory_space<vmem>>) target(%dma_start3A_330 : memref<8x4096xf32, #tpu.memory_space<hbm>>) target_semaphore(%run_scoped3A_322 : memref<!tpu.dma_semaphore, #tpu.memory_space<semaphore_mem>>)
      %dma_wait3A_335 = arith.constant 0 : i32
      %dma_wait3A_336 = arith.constant 0 : i32
      %dma_wait3A_337 = tpu.memref_slice %arg6[%run_scoped3A_262, %dma_wait3A_335, %dma_wait3A_336] : memref<2x8x4096xf32, #tpu.memory_space<vmem>> -> memref<1x8x4096xf32, #tpu.memory_space<vmem>>
      %dma_wait3A_338 = tpu.memref_squeeze %dma_wait3A_337 : memref<1x8x4096xf32, #tpu.memory_space<vmem>> -> memref<8x4096xf32, #tpu.memory_space<vmem>>
      %dma_wait3A_339 = arith.constant 0 : i32
      %dma_wait3A_340 = tpu.memref_slice %arg4[%add3A_261, %dma_wait3A_339] : memref<3584x4096xf32, #tpu.memory_space<hbm>> -> memref<8x4096xf32, #tpu.memory_space<hbm>>
      %dma_wait3A_341 = arith.constant 0 : i32
      %dma_wait3A_342 = tpu.memref_slice %arg4[%add3A_261, %dma_wait3A_341] : memref<3584x4096xf32, #tpu.memory_space<hbm>> -> memref<8x4096xf32, #tpu.memory_space<hbm>>
      %dma_wait3A_343 = arith.constant 0 : i32
      %dma_wait3A_344 = arith.constant 0 : i32
      %dma_wait3A_345 = tpu.memref_slice %arg6[%run_scoped3A_262, %dma_wait3A_343, %dma_wait3A_344] : memref<2x8x4096xf32, #tpu.memory_space<vmem>> -> memref<1x8x4096xf32, #tpu.memory_space<vmem>>
      %dma_wait3A_346 = tpu.memref_squeeze %dma_wait3A_345 : memref<1x8x4096xf32, #tpu.memory_space<vmem>> -> memref<8x4096xf32, #tpu.memory_space<vmem>>
      tpu.wait_dma2 semaphore(%run_scoped3A_322 : memref<!tpu.dma_semaphore, #tpu.memory_space<semaphore_mem>>) src(%dma_wait3A_346 : memref<8x4096xf32, #tpu.memory_space<vmem>>) dst(%dma_wait3A_342 : memref<8x4096xf32, #tpu.memory_space<hbm>>)
      tpu.yield
    }) : () -> ()
    %dma_wait3A_263 = arith.constant 1 : i32
    %dma_wait3A_264 = arith.constant 0 : i32
    %dma_wait3A_265 = arith.constant 0 : i32
    %dma_wait3A_266 = tpu.memref_slice %arg6[%dma_wait3A_263, %dma_wait3A_264, %dma_wait3A_265] : memref<2x8x4096xf32, #tpu.memory_space<vmem>> -> memref<1x8x4096xf32, #tpu.memory_space<vmem>>
    %dma_wait3A_267 = tpu.memref_squeeze %dma_wait3A_266 : memref<1x8x4096xf32, #tpu.memory_space<vmem>> -> memref<8x4096xf32, #tpu.memory_space<vmem>>
    %dma_wait3A_268 = arith.constant 88 : i32
    %dma_wait3A_269 = tpu.memref_slice %arg5[%dma_wait3A_268] : memref<112xi32, #tpu.memory_space<vmem>> -> memref<8xi32, #tpu.memory_space<vmem>>
    %dma_wait3A_270 = arith.constant 0 : i32
    %dma_wait3A_271 = arith.constant 0 : i32
    %dma_wait3A_272 = tpu.memref_slice %arg2[%dma_wait3A_270, %dma_wait3A_271] : memref<1792x4096xf32, #tpu.memory_space<hbm>> -> memref<1792x4096xf32, #tpu.memory_space<hbm>>
    tpu.wait_indirect_dma semaphore(%arg8 : memref<!tpu.dma_semaphore, #tpu.memory_space<semaphore_mem>>) src(%dma_wait3A_272 : memref<1792x4096xf32, #tpu.memory_space<hbm>>) dst(%dma_wait3A_267 : memref<8x4096xf32, #tpu.memory_space<vmem>>)
    %dma_start3A_273 = arith.constant 0 : i32
    %dma_start3A_274 = arith.constant 0 : i32
    %dma_start3A_275 = arith.constant 0 : i32
    %dma_start3A_276 = tpu.memref_slice %arg6[%dma_start3A_273, %dma_start3A_274, %dma_start3A_275] : memref<2x8x4096xf32, #tpu.memory_space<vmem>> -> memref<1x8x4096xf32, #tpu.memory_space<vmem>>
    %dma_start3A_277 = tpu.memref_squeeze %dma_start3A_276 : memref<1x8x4096xf32, #tpu.memory_space<vmem>> -> memref<8x4096xf32, #tpu.memory_space<vmem>>
    %dma_start3A_278 = arith.constant 96 : i32
    %dma_start3A_279 = tpu.memref_slice %arg5[%dma_start3A_278] : memref<112xi32, #tpu.memory_space<vmem>> -> memref<8xi32, #tpu.memory_space<vmem>>
    %dma_start3A_280 = arith.constant 0 : i32
    %dma_start3A_281 = arith.constant 0 : i32
    %dma_start3A_282 = tpu.memref_slice %arg2[%dma_start3A_280, %dma_start3A_281] : memref<1792x4096xf32, #tpu.memory_space<hbm>> -> memref<1792x4096xf32, #tpu.memory_space<hbm>>
    tpu.enqueue_indirect_dma source(%dma_start3A_282 : memref<1792x4096xf32, #tpu.memory_space<hbm>>) target(%dma_start3A_277 : memref<8x4096xf32, #tpu.memory_space<vmem>>) offsets(%dma_start3A_279 : memref<8xi32, #tpu.memory_space<vmem>>) semaphore(%arg7 : memref<!tpu.dma_semaphore, #tpu.memory_space<semaphore_mem>>)
    %add3A_283 = arith.constant 88 : i32
    %add3A_284 = arith.addi %mul3A_2, %add3A_283 : i32
    %run_scoped3A_285 = arith.constant 1 : i32
    "tpu.region"() ({
      %run_scoped3A_322 = tpu.sem_alloc : memref<!tpu.dma_semaphore, #tpu.memory_space<semaphore_mem>>
      %dma_start3A_323 = arith.constant 0 : i32
      %dma_start3A_324 = arith.constant 0 : i32
      %dma_start3A_325 = tpu.memref_slice %arg6[%run_scoped3A_285, %dma_start3A_323, %dma_start3A_324] : memref<2x8x4096xf32, #tpu.memory_space<vmem>> -> memref<1x8x4096xf32, #tpu.memory_space<vmem>>
      %dma_start3A_326 = tpu.memref_squeeze %dma_start3A_325 : memref<1x8x4096xf32, #tpu.memory_space<vmem>> -> memref<8x4096xf32, #tpu.memory_space<vmem>>
      %dma_start3A_327 = arith.constant 0 : i32
      %dma_start3A_328 = tpu.memref_slice %arg4[%add3A_284, %dma_start3A_327] : memref<3584x4096xf32, #tpu.memory_space<hbm>> -> memref<8x4096xf32, #tpu.memory_space<hbm>>
      %dma_start3A_329 = arith.constant 0 : i32
      %dma_start3A_330 = tpu.memref_slice %arg4[%add3A_284, %dma_start3A_329] : memref<3584x4096xf32, #tpu.memory_space<hbm>> -> memref<8x4096xf32, #tpu.memory_space<hbm>>
      %dma_start3A_331 = arith.constant 0 : i32
      %dma_start3A_332 = arith.constant 0 : i32
      %dma_start3A_333 = tpu.memref_slice %arg6[%run_scoped3A_285, %dma_start3A_331, %dma_start3A_332] : memref<2x8x4096xf32, #tpu.memory_space<vmem>> -> memref<1x8x4096xf32, #tpu.memory_space<vmem>>
      %dma_start3A_334 = tpu.memref_squeeze %dma_start3A_333 : memref<1x8x4096xf32, #tpu.memory_space<vmem>> -> memref<8x4096xf32, #tpu.memory_space<vmem>>
      tpu.enqueue_dma source(%dma_start3A_334 : memref<8x4096xf32, #tpu.memory_space<vmem>>) target(%dma_start3A_330 : memref<8x4096xf32, #tpu.memory_space<hbm>>) target_semaphore(%run_scoped3A_322 : memref<!tpu.dma_semaphore, #tpu.memory_space<semaphore_mem>>)
      %dma_wait3A_335 = arith.constant 0 : i32
      %dma_wait3A_336 = arith.constant 0 : i32
      %dma_wait3A_337 = tpu.memref_slice %arg6[%run_scoped3A_285, %dma_wait3A_335, %dma_wait3A_336] : memref<2x8x4096xf32, #tpu.memory_space<vmem>> -> memref<1x8x4096xf32, #tpu.memory_space<vmem>>
      %dma_wait3A_338 = tpu.memref_squeeze %dma_wait3A_337 : memref<1x8x4096xf32, #tpu.memory_space<vmem>> -> memref<8x4096xf32, #tpu.memory_space<vmem>>
      %dma_wait3A_339 = arith.constant 0 : i32
      %dma_wait3A_340 = tpu.memref_slice %arg4[%add3A_284, %dma_wait3A_339] : memref<3584x4096xf32, #tpu.memory_space<hbm>> -> memref<8x4096xf32, #tpu.memory_space<hbm>>
      %dma_wait3A_341 = arith.constant 0 : i32
      %dma_wait3A_342 = tpu.memref_slice %arg4[%add3A_284, %dma_wait3A_341] : memref<3584x4096xf32, #tpu.memory_space<hbm>> -> memref<8x4096xf32, #tpu.memory_space<hbm>>
      %dma_wait3A_343 = arith.constant 0 : i32
      %dma_wait3A_344 = arith.constant 0 : i32
      %dma_wait3A_345 = tpu.memref_slice %arg6[%run_scoped3A_285, %dma_wait3A_343, %dma_wait3A_344] : memref<2x8x4096xf32, #tpu.memory_space<vmem>> -> memref<1x8x4096xf32, #tpu.memory_space<vmem>>
      %dma_wait3A_346 = tpu.memref_squeeze %dma_wait3A_345 : memref<1x8x4096xf32, #tpu.memory_space<vmem>> -> memref<8x4096xf32, #tpu.memory_space<vmem>>
      tpu.wait_dma2 semaphore(%run_scoped3A_322 : memref<!tpu.dma_semaphore, #tpu.memory_space<semaphore_mem>>) src(%dma_wait3A_346 : memref<8x4096xf32, #tpu.memory_space<vmem>>) dst(%dma_wait3A_342 : memref<8x4096xf32, #tpu.memory_space<hbm>>)
      tpu.yield
    }) : () -> ()
    %dma_wait3A_286 = arith.constant 0 : i32
    %dma_wait3A_287 = arith.constant 0 : i32
    %dma_wait3A_288 = arith.constant 0 : i32
    %dma_wait3A_289 = tpu.memref_slice %arg6[%dma_wait3A_286, %dma_wait3A_287, %dma_wait3A_288] : memref<2x8x4096xf32, #tpu.memory_space<vmem>> -> memref<1x8x4096xf32, #tpu.memory_space<vmem>>
    %dma_wait3A_290 = tpu.memref_squeeze %dma_wait3A_289 : memref<1x8x4096xf32, #tpu.memory_space<vmem>> -> memref<8x4096xf32, #tpu.memory_space<vmem>>
    %dma_wait3A_291 = arith.constant 96 : i32
    %dma_wait3A_292 = tpu.memref_slice %arg5[%dma_wait3A_291] : memref<112xi32, #tpu.memory_space<vmem>> -> memref<8xi32, #tpu.memory_space<vmem>>
    %dma_wait3A_293 = arith.constant 0 : i32
    %dma_wait3A_294 = arith.constant 0 : i32
    %dma_wait3A_295 = tpu.memref_slice %arg2[%dma_wait3A_293, %dma_wait3A_294] : memref<1792x4096xf32, #tpu.memory_space<hbm>> -> memref<1792x4096xf32, #tpu.memory_space<hbm>>
    tpu.wait_indirect_dma semaphore(%arg7 : memref<!tpu.dma_semaphore, #tpu.memory_space<semaphore_mem>>) src(%dma_wait3A_295 : memref<1792x4096xf32, #tpu.memory_space<hbm>>) dst(%dma_wait3A_290 : memref<8x4096xf32, #tpu.memory_space<vmem>>)
    %dma_start3A_296 = arith.constant 1 : i32
    %dma_start3A_297 = arith.constant 0 : i32
    %dma_start3A_298 = arith.constant 0 : i32
    %dma_start3A_299 = tpu.memref_slice %arg6[%dma_start3A_296, %dma_start3A_297, %dma_start3A_298] : memref<2x8x4096xf32, #tpu.memory_space<vmem>> -> memref<1x8x4096xf32, #tpu.memory_space<vmem>>
    %dma_start3A_300 = tpu.memref_squeeze %dma_start3A_299 : memref<1x8x4096xf32, #tpu.memory_space<vmem>> -> memref<8x4096xf32, #tpu.memory_space<vmem>>
    %dma_start3A_301 = arith.constant 104 : i32
    %dma_start3A_302 = tpu.memref_slice %arg5[%dma_start3A_301] : memref<112xi32, #tpu.memory_space<vmem>> -> memref<8xi32, #tpu.memory_space<vmem>>
    %dma_start3A_303 = arith.constant 0 : i32
    %dma_start3A_304 = arith.constant 0 : i32
    %dma_start3A_305 = tpu.memref_slice %arg2[%dma_start3A_303, %dma_start3A_304] : memref<1792x4096xf32, #tpu.memory_space<hbm>> -> memref<1792x4096xf32, #tpu.memory_space<hbm>>
    tpu.enqueue_indirect_dma source(%dma_start3A_305 : memref<1792x4096xf32, #tpu.memory_space<hbm>>) target(%dma_start3A_300 : memref<8x4096xf32, #tpu.memory_space<vmem>>) offsets(%dma_start3A_302 : memref<8xi32, #tpu.memory_space<vmem>>) semaphore(%arg8 : memref<!tpu.dma_semaphore, #tpu.memory_space<semaphore_mem>>)
    %add3A_306 = arith.constant 96 : i32
    %add3A_307 = arith.addi %mul3A_2, %add3A_306 : i32
    %run_scoped3A_308 = arith.constant 0 : i32
    "tpu.region"() ({
      %run_scoped3A_322 = tpu.sem_alloc : memref<!tpu.dma_semaphore, #tpu.memory_space<semaphore_mem>>
      %dma_start3A_323 = arith.constant 0 : i32
      %dma_start3A_324 = arith.constant 0 : i32
      %dma_start3A_325 = tpu.memref_slice %arg6[%run_scoped3A_308, %dma_start3A_323, %dma_start3A_324] : memref<2x8x4096xf32, #tpu.memory_space<vmem>> -> memref<1x8x4096xf32, #tpu.memory_space<vmem>>
      %dma_start3A_326 = tpu.memref_squeeze %dma_start3A_325 : memref<1x8x4096xf32, #tpu.memory_space<vmem>> -> memref<8x4096xf32, #tpu.memory_space<vmem>>
      %dma_start3A_327 = arith.constant 0 : i32
      %dma_start3A_328 = tpu.memref_slice %arg4[%add3A_307, %dma_start3A_327] : memref<3584x4096xf32, #tpu.memory_space<hbm>> -> memref<8x4096xf32, #tpu.memory_space<hbm>>
      %dma_start3A_329 = arith.constant 0 : i32
      %dma_start3A_330 = tpu.memref_slice %arg4[%add3A_307, %dma_start3A_329] : memref<3584x4096xf32, #tpu.memory_space<hbm>> -> memref<8x4096xf32, #tpu.memory_space<hbm>>
      %dma_start3A_331 = arith.constant 0 : i32
      %dma_start3A_332 = arith.constant 0 : i32
      %dma_start3A_333 = tpu.memref_slice %arg6[%run_scoped3A_308, %dma_start3A_331, %dma_start3A_332] : memref<2x8x4096xf32, #tpu.memory_space<vmem>> -> memref<1x8x4096xf32, #tpu.memory_space<vmem>>
      %dma_start3A_334 = tpu.memref_squeeze %dma_start3A_333 : memref<1x8x4096xf32, #tpu.memory_space<vmem>> -> memref<8x4096xf32, #tpu.memory_space<vmem>>
      tpu.enqueue_dma source(%dma_start3A_334 : memref<8x4096xf32, #tpu.memory_space<vmem>>) target(%dma_start3A_330 : memref<8x4096xf32, #tpu.memory_space<hbm>>) target_semaphore(%run_scoped3A_322 : memref<!tpu.dma_semaphore, #tpu.memory_space<semaphore_mem>>)
      %dma_wait3A_335 = arith.constant 0 : i32
      %dma_wait3A_336 = arith.constant 0 : i32
      %dma_wait3A_337 = tpu.memref_slice %arg6[%run_scoped3A_308, %dma_wait3A_335, %dma_wait3A_336] : memref<2x8x4096xf32, #tpu.memory_space<vmem>> -> memref<1x8x4096xf32, #tpu.memory_space<vmem>>
      %dma_wait3A_338 = tpu.memref_squeeze %dma_wait3A_337 : memref<1x8x4096xf32, #tpu.memory_space<vmem>> -> memref<8x4096xf32, #tpu.memory_space<vmem>>
      %dma_wait3A_339 = arith.constant 0 : i32
      %dma_wait3A_340 = tpu.memref_slice %arg4[%add3A_307, %dma_wait3A_339] : memref<3584x4096xf32, #tpu.memory_space<hbm>> -> memref<8x4096xf32, #tpu.memory_space<hbm>>
      %dma_wait3A_341 = arith.constant 0 : i32
      %dma_wait3A_342 = tpu.memref_slice %arg4[%add3A_307, %dma_wait3A_341] : memref<3584x4096xf32, #tpu.memory_space<hbm>> -> memref<8x4096xf32, #tpu.memory_space<hbm>>
      %dma_wait3A_343 = arith.constant 0 : i32
      %dma_wait3A_344 = arith.constant 0 : i32
      %dma_wait3A_345 = tpu.memref_slice %arg6[%run_scoped3A_308, %dma_wait3A_343, %dma_wait3A_344] : memref<2x8x4096xf32, #tpu.memory_space<vmem>> -> memref<1x8x4096xf32, #tpu.memory_space<vmem>>
      %dma_wait3A_346 = tpu.memref_squeeze %dma_wait3A_345 : memref<1x8x4096xf32, #tpu.memory_space<vmem>> -> memref<8x4096xf32, #tpu.memory_space<vmem>>
      tpu.wait_dma2 semaphore(%run_scoped3A_322 : memref<!tpu.dma_semaphore, #tpu.memory_space<semaphore_mem>>) src(%dma_wait3A_346 : memref<8x4096xf32, #tpu.memory_space<vmem>>) dst(%dma_wait3A_342 : memref<8x4096xf32, #tpu.memory_space<hbm>>)
      tpu.yield
    }) : () -> ()
    %dma_wait3A_309 = arith.constant 1 : i32
    %dma_wait3A_310 = arith.constant 0 : i32
    %dma_wait3A_311 = arith.constant 0 : i32
    %dma_wait3A_312 = tpu.memref_slice %arg6[%dma_wait3A_309, %dma_wait3A_310, %dma_wait3A_311] : memref<2x8x4096xf32, #tpu.memory_space<vmem>> -> memref<1x8x4096xf32, #tpu.memory_space<vmem>>
    %dma_wait3A_313 = tpu.memref_squeeze %dma_wait3A_312 : memref<1x8x4096xf32, #tpu.memory_space<vmem>> -> memref<8x4096xf32, #tpu.memory_space<vmem>>
    %dma_wait3A_314 = arith.constant 104 : i32
    %dma_wait3A_315 = tpu.memref_slice %arg5[%dma_wait3A_314] : memref<112xi32, #tpu.memory_space<vmem>> -> memref<8xi32, #tpu.memory_space<vmem>>
    %dma_wait3A_316 = arith.constant 0 : i32
    %dma_wait3A_317 = arith.constant 0 : i32
    %dma_wait3A_318 = tpu.memref_slice %arg2[%dma_wait3A_316, %dma_wait3A_317] : memref<1792x4096xf32, #tpu.memory_space<hbm>> -> memref<1792x4096xf32, #tpu.memory_space<hbm>>
    tpu.wait_indirect_dma semaphore(%arg8 : memref<!tpu.dma_semaphore, #tpu.memory_space<semaphore_mem>>) src(%dma_wait3A_318 : memref<1792x4096xf32, #tpu.memory_space<hbm>>) dst(%dma_wait3A_313 : memref<8x4096xf32, #tpu.memory_space<vmem>>)
    %add3A_319 = arith.constant 104 : i32
    %add3A_320 = arith.addi %mul3A_2, %add3A_319 : i32
    %run_scoped3A_321 = arith.constant 1 : i32
    "tpu.region"() ({
      %run_scoped3A_322 = tpu.sem_alloc : memref<!tpu.dma_semaphore, #tpu.memory_space<semaphore_mem>>
      %dma_start3A_323 = arith.constant 0 : i32
      %dma_start3A_324 = arith.constant 0 : i32
      %dma_start3A_325 = tpu.memref_slice %arg6[%run_scoped3A_321, %dma_start3A_323, %dma_start3A_324] : memref<2x8x4096xf32, #tpu.memory_space<vmem>> -> memref<1x8x4096xf32, #tpu.memory_space<vmem>>
      %dma_start3A_326 = tpu.memref_squeeze %dma_start3A_325 : memref<1x8x4096xf32, #tpu.memory_space<vmem>> -> memref<8x4096xf32, #tpu.memory_space<vmem>>
      %dma_start3A_327 = arith.constant 0 : i32
      %dma_start3A_328 = tpu.memref_slice %arg4[%add3A_320, %dma_start3A_327] : memref<3584x4096xf32, #tpu.memory_space<hbm>> -> memref<8x4096xf32, #tpu.memory_space<hbm>>
      %dma_start3A_329 = arith.constant 0 : i32
      %dma_start3A_330 = tpu.memref_slice %arg4[%add3A_320, %dma_start3A_329] : memref<3584x4096xf32, #tpu.memory_space<hbm>> -> memref<8x4096xf32, #tpu.memory_space<hbm>>
      %dma_start3A_331 = arith.constant 0 : i32
      %dma_start3A_332 = arith.constant 0 : i32
      %dma_start3A_333 = tpu.memref_slice %arg6[%run_scoped3A_321, %dma_start3A_331, %dma_start3A_332] : memref<2x8x4096xf32, #tpu.memory_space<vmem>> -> memref<1x8x4096xf32, #tpu.memory_space<vmem>>
      %dma_start3A_334 = tpu.memref_squeeze %dma_start3A_333 : memref<1x8x4096xf32, #tpu.memory_space<vmem>> -> memref<8x4096xf32, #tpu.memory_space<vmem>>
      tpu.enqueue_dma source(%dma_start3A_334 : memref<8x4096xf32, #tpu.memory_space<vmem>>) target(%dma_start3A_330 : memref<8x4096xf32, #tpu.memory_space<hbm>>) target_semaphore(%run_scoped3A_322 : memref<!tpu.dma_semaphore, #tpu.memory_space<semaphore_mem>>)
      %dma_wait3A_335 = arith.constant 0 : i32
      %dma_wait3A_336 = arith.constant 0 : i32
      %dma_wait3A_337 = tpu.memref_slice %arg6[%run_scoped3A_321, %dma_wait3A_335, %dma_wait3A_336] : memref<2x8x4096xf32, #tpu.memory_space<vmem>> -> memref<1x8x4096xf32, #tpu.memory_space<vmem>>
      %dma_wait3A_338 = tpu.memref_squeeze %dma_wait3A_337 : memref<1x8x4096xf32, #tpu.memory_space<vmem>> -> memref<8x4096xf32, #tpu.memory_space<vmem>>
      %dma_wait3A_339 = arith.constant 0 : i32
      %dma_wait3A_340 = tpu.memref_slice %arg4[%add3A_320, %dma_wait3A_339] : memref<3584x4096xf32, #tpu.memory_space<hbm>> -> memref<8x4096xf32, #tpu.memory_space<hbm>>
      %dma_wait3A_341 = arith.constant 0 : i32
      %dma_wait3A_342 = tpu.memref_slice %arg4[%add3A_320, %dma_wait3A_341] : memref<3584x4096xf32, #tpu.memory_space<hbm>> -> memref<8x4096xf32, #tpu.memory_space<hbm>>
      %dma_wait3A_343 = arith.constant 0 : i32
      %dma_wait3A_344 = arith.constant 0 : i32
      %dma_wait3A_345 = tpu.memref_slice %arg6[%run_scoped3A_321, %dma_wait3A_343, %dma_wait3A_344] : memref<2x8x4096xf32, #tpu.memory_space<vmem>> -> memref<1x8x4096xf32, #tpu.memory_space<vmem>>
      %dma_wait3A_346 = tpu.memref_squeeze %dma_wait3A_345 : memref<1x8x4096xf32, #tpu.memory_space<vmem>> -> memref<8x4096xf32, #tpu.memory_space<vmem>>
      tpu.wait_dma2 semaphore(%run_scoped3A_322 : memref<!tpu.dma_semaphore, #tpu.memory_space<semaphore_mem>>) src(%dma_wait3A_346 : memref<8x4096xf32, #tpu.memory_space<vmem>>) dst(%dma_wait3A_342 : memref<8x4096xf32, #tpu.memory_space<hbm>>)
      tpu.yield
    }) : () -> ()
    return
  }
}

module attributes {stable_mosaic.version = 14 : i64} {
  func.func @_seg_kernel(%arg0: i32, %arg1: memref<1x7x8192xf32, #tpu.memory_space<vmem>>, %arg2: memref<1x14x8192xf32, #tpu.memory_space<vmem>>, %arg3: memref<1x256xf32, #tpu.memory_space<vmem>>, %arg4: memref<1x1344x256xf32, #tpu.memory_space<vmem>>) attributes {dimension_semantics = [#tpu.dimension_semantics<arbitrary>], iteration_bounds = array<i64: 64>, scalar_prefetch = 0 : i64, scratch_operands = 0 : i64, tpu.core_type = #tpu.core_type<tc>, window_params = [{transform_indices = @transform_0, window_bounds = array<i64: 1, 7, 8192>}, {transform_indices = @transform_1, window_bounds = array<i64: 1, 14, 8192>}, {pipeline_mode = #tpu.pipeline_mode<synchronous>, transform_indices = @transform_2, window_bounds = array<i64: 1, 256>}, {transform_indices = @transform_3, window_bounds = array<i64: 1, 1344, 256>}]} {
    %get3A = arith.constant 0 : index
    %get3A_0 = arith.constant 0 : index
    %get3A_1 = arith.constant 0 : index
    %get3A_2 = vector.load %arg1[%get3A, %get3A_0, %get3A_1] : memref<1x7x8192xf32, #tpu.memory_space<vmem>>, vector<1x7x8192xf32>
    %get3A_3 = vector.shape_cast %get3A_2 : vector<1x7x8192xf32> to vector<7x8192xf32>
    %reshape3A = vector.shape_cast %get3A_3 : vector<7x8192xf32> to vector<7x64x128xf32>
    %slice3A = vector.extract_strided_slice %reshape3A {offsets = [0, 1, 0], sizes = [7, 63, 128], strides = [1, 1, 1]} : vector<7x64x128xf32> to vector<7x63x128xf32>
    %broadcast_in_dim3A = arith.constant 0.000000e+00 : f32
    %broadcast_in_dim3A_4 = vector.broadcast %broadcast_in_dim3A : f32 to vector<7x1x128xf32>
    %concatenate3A = tpu.concatenate %slice3A, %broadcast_in_dim3A_4 in 1 : vector<7x63x128xf32>, vector<7x1x128xf32> -> vector<7x64x128xf32>
    %concatenate3A_5 = tpu.concatenate %reshape3A, %concatenate3A in 2 : vector<7x64x128xf32>, vector<7x64x128xf32> -> vector<7x64x256xf32>
    %iota3A = tpu.iota {dimensions = array<i32: 1>} : vector<7x64x256xi32>
    %lt3A = arith.constant 63 : i32
    %lt3A_6 = vector.broadcast %lt3A : i32 to vector<7x64x256xi32>
    %lt3A_7 = arith.cmpi slt, %iota3A, %lt3A_6 : vector<7x64x256xi32>
    %jit3A = arith.constant 0.000000e+00 : f32
    %broadcast_in_dim3A_8 = vector.broadcast %jit3A : f32 to vector<7x64x256xf32>
    %select_n3A = arith.select %lt3A_7, %concatenate3A_5, %broadcast_in_dim3A_8 : vector<7x64x256xi1>, vector<7x64x256xf32>
    %reshape3A_9 = vector.shape_cast %select_n3A : vector<7x64x256xf32> to vector<448x256xf32>
    %get3A_10 = arith.constant 0 : index
    %get3A_11 = arith.constant 0 : index
    %get3A_12 = arith.constant 0 : index
    %get3A_13 = vector.load %arg2[%get3A_10, %get3A_11, %get3A_12] : memref<1x14x8192xf32, #tpu.memory_space<vmem>>, vector<1x14x8192xf32>
    %get3A_14 = vector.shape_cast %get3A_13 : vector<1x14x8192xf32> to vector<14x8192xf32>
    %reshape3A_15 = vector.shape_cast %get3A_14 : vector<14x8192xf32> to vector<14x64x128xf32>
    %slice3A_16 = vector.extract_strided_slice %reshape3A_15 {offsets = [0, 1, 0], sizes = [14, 63, 128], strides = [1, 1, 1]} : vector<14x64x128xf32> to vector<14x63x128xf32>
    %broadcast_in_dim3A_17 = arith.constant 0.000000e+00 : f32
    %broadcast_in_dim3A_18 = vector.broadcast %broadcast_in_dim3A_17 : f32 to vector<14x1x128xf32>
    %concatenate3A_19 = tpu.concatenate %slice3A_16, %broadcast_in_dim3A_18 in 1 : vector<14x63x128xf32>, vector<14x1x128xf32> -> vector<14x64x128xf32>
    %concatenate3A_20 = tpu.concatenate %reshape3A_15, %concatenate3A_19 in 2 : vector<14x64x128xf32>, vector<14x64x128xf32> -> vector<14x64x256xf32>
    %iota3A_21 = tpu.iota {dimensions = array<i32: 1>} : vector<14x64x256xi32>
    %lt3A_22 = arith.constant 63 : i32
    %lt3A_23 = vector.broadcast %lt3A_22 : i32 to vector<14x64x256xi32>
    %lt3A_24 = arith.cmpi slt, %iota3A_21, %lt3A_23 : vector<14x64x256xi32>
    %jit3A_25 = arith.constant 0.000000e+00 : f32
    %broadcast_in_dim3A_26 = vector.broadcast %jit3A_25 : f32 to vector<14x64x256xf32>
    %select_n3A_27 = arith.select %lt3A_24, %concatenate3A_20, %broadcast_in_dim3A_26 : vector<14x64x256xi1>, vector<14x64x256xf32>
    %reshape3A_28 = vector.shape_cast %select_n3A_27 : vector<14x64x256xf32> to vector<896x256xf32>
    %concatenate3A_29 = tpu.concatenate %reshape3A_9, %reshape3A_28 in 0 : vector<448x256xf32>, vector<896x256xf32> -> vector<1344x256xf32>
    %get3A_30 = arith.constant 0 : index
    %get3A_31 = arith.constant 0 : index
    %get3A_32 = vector.load %arg3[%get3A_30, %get3A_31] : memref<1x256xf32, #tpu.memory_space<vmem>>, vector<1x256xf32>
    %mul3A = vector.broadcast %get3A_32 : vector<1x256xf32> to vector<1344x256xf32>
    %mul3A_33 = arith.mulf %concatenate3A_29, %mul3A : vector<1344x256xf32>
    %swap3A = arith.constant 0 : index
    %swap3A_34 = arith.constant 0 : index
    %swap3A_35 = arith.constant 0 : index
    %swap3A_36 = vector.load %arg4[%swap3A, %swap3A_34, %swap3A_35] : memref<1x1344x256xf32, #tpu.memory_space<vmem>>, vector<1x1344x256xf32>
    %swap3A_37 = vector.shape_cast %swap3A_36 : vector<1x1344x256xf32> to vector<1344x256xf32>
    %swap3A_38 = vector.shape_cast %mul3A_33 : vector<1344x256xf32> to vector<1x1344x256xf32>
    tpu.vector_store %arg4[%swap3A, %swap3A_34, %swap3A_35], %swap3A_38 {strides = array<i32>} : memref<1x1344x256xf32, #tpu.memory_space<vmem>>, vector<1x1344x256xf32>,
    return
  }
  func.func @transform_0(%arg0: i32) -> (i32, i32, i32) {
    %c0_i32 = arith.constant 0 : i32
    %c0_i32_0 = arith.constant 0 : i32
    %c0_i32_1 = arith.constant 0 : i32
    return %arg0, %c0_i32, %c0_i32_0 : i32, i32, i32
  }
  func.func @transform_1(%arg0: i32) -> (i32, i32, i32) {
    %c0_i32 = arith.constant 0 : i32
    %c0_i32_0 = arith.constant 0 : i32
    %c0_i32_1 = arith.constant 0 : i32
    return %arg0, %c0_i32, %c0_i32_0 : i32, i32, i32
  }
  func.func @transform_2(%arg0: i32) -> (i32, i32) {
    %c0_i32 = arith.constant 0 : i32
    %c0_i32_0 = arith.constant 0 : i32
    %c0_i32_1 = arith.constant 0 : i32
    return %c0_i32, %c0_i32_0 : i32, i32
  }
  func.func @transform_3(%arg0: i32) -> (i32, i32, i32) {
    %c0_i32 = arith.constant 0 : i32
    %c0_i32_0 = arith.constant 0 : i32
    %c0_i32_1 = arith.constant 0 : i32
    return %arg0, %c0_i32, %c0_i32_0 : i32, i32, i32
  }
}

module attributes {stable_mosaic.version = 14 : i64} {
  func.func @_score_kernel(%arg0: i32, %arg1: memref<1x7x64x129xf32, #tpu.memory_space<vmem>>, %arg2: memref<1x7x64x129xf32, #tpu.memory_space<vmem>>, %arg3: memref<1x14x64x129xf32, #tpu.memory_space<vmem>>, %arg4: memref<1x14x64x129xf32, #tpu.memory_space<vmem>>, %arg5: memref<1x7x8xi32, #tpu.memory_space<vmem>>) attributes {dimension_semantics = [#tpu.dimension_semantics<arbitrary>], iteration_bounds = array<i64: 64>, scalar_prefetch = 0 : i64, scratch_operands = 0 : i64, tpu.core_type = #tpu.core_type<tc>, window_params = [{transform_indices = @transform_0, window_bounds = array<i64: 1, 7, 64, 129>}, {transform_indices = @transform_1, window_bounds = array<i64: 1, 7, 64, 129>}, {transform_indices = @transform_2, window_bounds = array<i64: 1, 14, 64, 129>}, {transform_indices = @transform_3, window_bounds = array<i64: 1, 14, 64, 129>}, {transform_indices = @transform_4, window_bounds = array<i64: 1, 7, 8>}]} {
    %get3A = arith.constant 0 : index
    %get3A_0 = arith.constant 0 : index
    %get3A_1 = arith.constant 0 : index
    %get3A_2 = arith.constant 0 : index
    %get3A_3 = vector.load %arg1[%get3A, %get3A_0, %get3A_1, %get3A_2] : memref<1x7x64x129xf32, #tpu.memory_space<vmem>>, vector<1x7x64x129xf32>
    %get3A_4 = vector.shape_cast %get3A_3 : vector<1x7x64x129xf32> to vector<7x64x129xf32>
    %get3A_5 = arith.constant 0 : index
    %get3A_6 = arith.constant 0 : index
    %get3A_7 = arith.constant 0 : index
    %get3A_8 = arith.constant 0 : index
    %get3A_9 = vector.load %arg2[%get3A_5, %get3A_6, %get3A_7, %get3A_8] : memref<1x7x64x129xf32, #tpu.memory_space<vmem>>, vector<1x7x64x129xf32>
    %get3A_10 = vector.shape_cast %get3A_9 : vector<1x7x64x129xf32> to vector<7x64x129xf32>
    %get3A_11 = arith.constant 0 : index
    %get3A_12 = arith.constant 0 : index
    %get3A_13 = arith.constant 0 : index
    %get3A_14 = arith.constant 0 : index
    %get3A_15 = vector.load %arg3[%get3A_11, %get3A_12, %get3A_13, %get3A_14] : memref<1x14x64x129xf32, #tpu.memory_space<vmem>>, vector<1x14x64x129xf32>
    %get3A_16 = vector.shape_cast %get3A_15 : vector<1x14x64x129xf32> to vector<14x64x129xf32>
    %get3A_17 = arith.constant 0 : index
    %get3A_18 = arith.constant 0 : index
    %get3A_19 = arith.constant 0 : index
    %get3A_20 = arith.constant 0 : index
    %get3A_21 = vector.load %arg4[%get3A_17, %get3A_18, %get3A_19, %get3A_20] : memref<1x14x64x129xf32, #tpu.memory_space<vmem>>, vector<1x14x64x129xf32>
    %get3A_22 = vector.shape_cast %get3A_21 : vector<1x14x64x129xf32> to vector<14x64x129xf32>
    %add3A = arith.addf %get3A_16, %get3A_22 : vector<14x64x129xf32>
    %dot_general3A = arith.constant dense<0.000000e+00> : vector<129x7x14xf32>
    %dot_general3A_23 = tpu.matmul %get3A_4, %add3A, %dot_general3A {dimension_numbers = #tpu.dot_dimension_numbers<[1], [1], [0], [0], [0, 2, 0, 0, 1, 0], [2], [2]>, transpose_lhs_hint = false} : vector<7x64x129xf32>, vector<14x64x129xf32>, vector<129x7x14xf32> -> vector<129x7x14xf32>
    %neg3A = arith.constant 0.000000e+00 : f32
    %neg3A_24 = vector.broadcast %neg3A : f32 to vector<7x64x129xf32>
    %neg3A_25 = arith.subf %neg3A_24, %get3A_10 : vector<7x64x129xf32>
    %sub3A = arith.subf %neg3A_25, %get3A_4 : vector<7x64x129xf32>
    %dot_general3A_26 = arith.constant dense<0.000000e+00> : vector<129x7x14xf32>
    %dot_general3A_27 = tpu.matmul %sub3A, %get3A_16, %dot_general3A_26 {dimension_numbers = #tpu.dot_dimension_numbers<[1], [1], [0], [0], [0, 2, 0, 0, 1, 0], [2], [2]>, transpose_lhs_hint = false} : vector<7x64x129xf32>, vector<14x64x129xf32>, vector<129x7x14xf32> -> vector<129x7x14xf32>
    %sub3A_28 = arith.subf %get3A_4, %get3A_10 : vector<7x64x129xf32>
    %dot_general3A_29 = arith.constant dense<0.000000e+00> : vector<129x7x14xf32>
    %dot_general3A_30 = tpu.matmul %sub3A_28, %get3A_22, %dot_general3A_29 {dimension_numbers = #tpu.dot_dimension_numbers<[1], [1], [0], [0], [0, 2, 0, 0, 1, 0], [2], [2]>, transpose_lhs_hint = false} : vector<7x64x129xf32>, vector<14x64x129xf32>, vector<129x7x14xf32> -> vector<129x7x14xf32>
    %sub3A_31 = arith.subf %dot_general3A_23, %dot_general3A_30 : vector<129x7x14xf32>
    %add3A_32 = arith.addf %dot_general3A_23, %dot_general3A_27 : vector<129x7x14xf32>
    %mul3A = arith.mulf %get3A_4, %get3A_4 : vector<7x64x129xf32>
    %mul3A_33 = arith.mulf %get3A_10, %get3A_10 : vector<7x64x129xf32>
    %add3A_34 = arith.addf %mul3A, %mul3A_33 : vector<7x64x129xf32>
    %reduce_sum3A = arith.constant dense<0.000000e+00> : vector<7x129xf32>
    %reduce_sum3A_35 = vector.multi_reduction <add>, %add3A_34, %reduce_sum3A [1] : vector<7x64x129xf32> to vector<7x129xf32>
    %transpose3A = tpu.transpose %reduce_sum3A_35, [1, 0] : vector<7x129xf32> -> vector<129x7xf32>
    %mul3A_36 = arith.mulf %get3A_16, %get3A_16 : vector<14x64x129xf32>
    %mul3A_37 = arith.mulf %get3A_22, %get3A_22 : vector<14x64x129xf32>
    %add3A_38 = arith.addf %mul3A_36, %mul3A_37 : vector<14x64x129xf32>
    %reduce_sum3A_39 = arith.constant dense<0.000000e+00> : vector<14x129xf32>
    %reduce_sum3A_40 = vector.multi_reduction <add>, %add3A_38, %reduce_sum3A_39 [1] : vector<14x64x129xf32> to vector<14x129xf32>
    %transpose3A_41 = tpu.transpose %reduce_sum3A_40, [1, 0] : vector<14x129xf32> -> vector<129x14xf32>
    %broadcast_in_dim3A = vector.shape_cast %transpose3A : vector<129x7xf32> to vector<129x7x1xf32>
    %broadcast_in_dim3A_42 = vector.shape_cast %transpose3A_41 : vector<129x14xf32> to vector<129x1x14xf32>
    %mul3A_43 = vector.broadcast %broadcast_in_dim3A : vector<129x7x1xf32> to vector<129x7x14xf32>
    %mul3A_44 = vector.broadcast %broadcast_in_dim3A_42 : vector<129x1x14xf32> to vector<129x7x14xf32>
    %mul3A_45 = arith.mulf %mul3A_43, %mul3A_44 : vector<129x7x14xf32>
    %add3A_46 = arith.constant 3.969000e-07 : f32
    %add3A_47 = vector.broadcast %add3A_46 : f32 to vector<129x7x14xf32>
    %add3A_48 = arith.addf %mul3A_45, %add3A_47 : vector<129x7x14xf32>
    %mul3A_49 = arith.mulf %sub3A_31, %sub3A_31 : vector<129x7x14xf32>
    %mul3A_50 = arith.mulf %add3A_32, %add3A_32 : vector<129x7x14xf32>
    %add3A_51 = arith.addf %mul3A_49, %mul3A_50 : vector<129x7x14xf32>
    %div3A = arith.divf %add3A_51, %add3A_48 : vector<129x7x14xf32>
    %reduce_sum3A_52 = arith.constant dense<0.000000e+00> : vector<7x14xf32>
    %reduce_sum3A_53 = vector.multi_reduction <add>, %div3A, %reduce_sum3A_52 [0] : vector<129x7x14xf32> to vector<7x14xf32>
    %iota3A = tpu.iota {dimensions = array<i32: 1>} : vector<7x14xi32>
    %reduce_max3A = arith.constant dense<0xFF800000> : vector<7xf32>
    %reduce_max3A_54 = vector.multi_reduction <maximumf>, %reduce_sum3A_53, %reduce_max3A [1] : vector<7x14xf32> to vector<7xf32>
    %broadcast_in_dim3A_55 = vector.shape_cast %reduce_max3A_54 : vector<7xf32> to vector<7x1xf32>
    %eq3A = vector.broadcast %broadcast_in_dim3A_55 : vector<7x1xf32> to vector<7x14xf32>
    %eq3A_56 = arith.cmpf oeq, %reduce_sum3A_53, %eq3A : vector<7x14xf32>
    %jit3A = arith.constant 127 : i32
    %broadcast_in_dim3A_57 = vector.broadcast %jit3A : i32 to vector<7x14xi32>
    %select_n3A = arith.select %eq3A_56, %iota3A, %broadcast_in_dim3A_57 : vector<7x14xi1>, vector<7x14xi32>
    %reduce_min3A = arith.constant dense<2147483647> : vector<7xi32>
    %reduce_min3A_58 = vector.multi_reduction <minsi>, %select_n3A, %reduce_min3A [1] : vector<7x14xi32> to vector<7xi32>
    %broadcast_in_dim3A_59 = vector.shape_cast %reduce_min3A_58 : vector<7xi32> to vector<7x1xi32>
    %eq3A_60 = vector.broadcast %broadcast_in_dim3A_59 : vector<7x1xi32> to vector<7x14xi32>
    %eq3A_61 = arith.cmpi eq, %iota3A, %eq3A_60 : vector<7x14xi32>
    %jit3A_62 = arith.constant 0xFF800000 : f32
    %broadcast_in_dim3A_63 = vector.broadcast %jit3A_62 : f32 to vector<7x14xf32>
    %select_n3A_64 = arith.select %eq3A_61, %broadcast_in_dim3A_63, %reduce_sum3A_53 : vector<7x14xi1>, vector<7x14xf32>
    %reduce_max3A_65 = arith.constant dense<0xFF800000> : vector<7xf32>
    %reduce_max3A_66 = vector.multi_reduction <maximumf>, %select_n3A_64, %reduce_max3A_65 [1] : vector<7x14xf32> to vector<7xf32>
    %broadcast_in_dim3A_67 = vector.shape_cast %reduce_max3A_66 : vector<7xf32> to vector<7x1xf32>
    %eq3A_68 = vector.broadcast %broadcast_in_dim3A_67 : vector<7x1xf32> to vector<7x14xf32>
    %eq3A_69 = arith.cmpf oeq, %select_n3A_64, %eq3A_68 : vector<7x14xf32>
    %jit3A_70 = arith.constant 127 : i32
    %broadcast_in_dim3A_71 = vector.broadcast %jit3A_70 : i32 to vector<7x14xi32>
    %select_n3A_72 = arith.select %eq3A_69, %iota3A, %broadcast_in_dim3A_71 : vector<7x14xi1>, vector<7x14xi32>
    %reduce_min3A_73 = arith.constant dense<2147483647> : vector<7xi32>
    %reduce_min3A_74 = vector.multi_reduction <minsi>, %select_n3A_72, %reduce_min3A_73 [1] : vector<7x14xi32> to vector<7xi32>
    %broadcast_in_dim3A_75 = vector.shape_cast %reduce_min3A_74 : vector<7xi32> to vector<7x1xi32>
    %eq3A_76 = vector.broadcast %broadcast_in_dim3A_75 : vector<7x1xi32> to vector<7x14xi32>
    %eq3A_77 = arith.cmpi eq, %iota3A, %eq3A_76 : vector<7x14xi32>
    %jit3A_78 = arith.constant 0xFF800000 : f32
    %broadcast_in_dim3A_79 = vector.broadcast %jit3A_78 : f32 to vector<7x14xf32>
    %select_n3A_80 = arith.select %eq3A_77, %broadcast_in_dim3A_79, %select_n3A_64 : vector<7x14xi1>, vector<7x14xf32>
    %reduce_max3A_81 = arith.constant dense<0xFF800000> : vector<7xf32>
    %reduce_max3A_82 = vector.multi_reduction <maximumf>, %select_n3A_80, %reduce_max3A_81 [1] : vector<7x14xf32> to vector<7xf32>
    %broadcast_in_dim3A_83 = vector.shape_cast %reduce_max3A_82 : vector<7xf32> to vector<7x1xf32>
    %eq3A_84 = vector.broadcast %broadcast_in_dim3A_83 : vector<7x1xf32> to vector<7x14xf32>
    %eq3A_85 = arith.cmpf oeq, %select_n3A_80, %eq3A_84 : vector<7x14xf32>
    %jit3A_86 = arith.constant 127 : i32
    %broadcast_in_dim3A_87 = vector.broadcast %jit3A_86 : i32 to vector<7x14xi32>
    %select_n3A_88 = arith.select %eq3A_85, %iota3A, %broadcast_in_dim3A_87 : vector<7x14xi1>, vector<7x14xi32>
    %reduce_min3A_89 = arith.constant dense<2147483647> : vector<7xi32>
    %reduce_min3A_90 = vector.multi_reduction <minsi>, %select_n3A_88, %reduce_min3A_89 [1] : vector<7x14xi32> to vector<7xi32>
    %broadcast_in_dim3A_91 = vector.shape_cast %reduce_min3A_90 : vector<7xi32> to vector<7x1xi32>
    %eq3A_92 = vector.broadcast %broadcast_in_dim3A_91 : vector<7x1xi32> to vector<7x14xi32>
    %eq3A_93 = arith.cmpi eq, %iota3A, %eq3A_92 : vector<7x14xi32>
    %jit3A_94 = arith.constant 0xFF800000 : f32
    %broadcast_in_dim3A_95 = vector.broadcast %jit3A_94 : f32 to vector<7x14xf32>
    %select_n3A_96 = arith.select %eq3A_93, %broadcast_in_dim3A_95, %select_n3A_80 : vector<7x14xi1>, vector<7x14xf32>
    %reduce_max3A_97 = arith.constant dense<0xFF800000> : vector<7xf32>
    %reduce_max3A_98 = vector.multi_reduction <maximumf>, %select_n3A_96, %reduce_max3A_97 [1] : vector<7x14xf32> to vector<7xf32>
    %broadcast_in_dim3A_99 = vector.shape_cast %reduce_max3A_98 : vector<7xf32> to vector<7x1xf32>
    %eq3A_100 = vector.broadcast %broadcast_in_dim3A_99 : vector<7x1xf32> to vector<7x14xf32>
    %eq3A_101 = arith.cmpf oeq, %select_n3A_96, %eq3A_100 : vector<7x14xf32>
    %jit3A_102 = arith.constant 127 : i32
    %broadcast_in_dim3A_103 = vector.broadcast %jit3A_102 : i32 to vector<7x14xi32>
    %select_n3A_104 = arith.select %eq3A_101, %iota3A, %broadcast_in_dim3A_103 : vector<7x14xi1>, vector<7x14xi32>
    %reduce_min3A_105 = arith.constant dense<2147483647> : vector<7xi32>
    %reduce_min3A_106 = vector.multi_reduction <minsi>, %select_n3A_104, %reduce_min3A_105 [1] : vector<7x14xi32> to vector<7xi32>
    %broadcast_in_dim3A_107 = vector.shape_cast %reduce_min3A_106 : vector<7xi32> to vector<7x1xi32>
    %mul3A_108 = arith.constant 14 : i32
    %mul3A_109 = arith.muli %mul3A_108, %arg0 : i32
    %add3A_110 = vector.broadcast %mul3A_109 : i32 to vector<7x1xi32>
    %add3A_111 = arith.addi %broadcast_in_dim3A_59, %add3A_110 : vector<7x1xi32>
    %mul3A_112 = arith.constant 2 : i32
    %mul3A_113 = vector.broadcast %mul3A_112 : i32 to vector<7x1xi32>
    %mul3A_114 = arith.muli %mul3A_113, %add3A_111 : vector<7x1xi32>
    %add3A_115 = arith.constant 1 : i32
    %add3A_116 = vector.broadcast %add3A_115 : i32 to vector<7x1xi32>
    %add3A_117 = arith.addi %mul3A_114, %add3A_116 : vector<7x1xi32>
    %mul3A_118 = arith.constant 14 : i32
    %mul3A_119 = arith.muli %mul3A_118, %arg0 : i32
    %add3A_120 = vector.broadcast %mul3A_119 : i32 to vector<7x1xi32>
    %add3A_121 = arith.addi %broadcast_in_dim3A_75, %add3A_120 : vector<7x1xi32>
    %mul3A_122 = arith.constant 2 : i32
    %mul3A_123 = vector.broadcast %mul3A_122 : i32 to vector<7x1xi32>
    %mul3A_124 = arith.muli %mul3A_123, %add3A_121 : vector<7x1xi32>
    %add3A_125 = arith.constant 1 : i32
    %add3A_126 = vector.broadcast %add3A_125 : i32 to vector<7x1xi32>
    %add3A_127 = arith.addi %mul3A_124, %add3A_126 : vector<7x1xi32>
    %mul3A_128 = arith.constant 14 : i32
    %mul3A_129 = arith.muli %mul3A_128, %arg0 : i32
    %add3A_130 = vector.broadcast %mul3A_129 : i32 to vector<7x1xi32>
    %add3A_131 = arith.addi %broadcast_in_dim3A_91, %add3A_130 : vector<7x1xi32>
    %mul3A_132 = arith.constant 2 : i32
    %mul3A_133 = vector.broadcast %mul3A_132 : i32 to vector<7x1xi32>
    %mul3A_134 = arith.muli %mul3A_133, %add3A_131 : vector<7x1xi32>
    %add3A_135 = arith.constant 1 : i32
    %add3A_136 = vector.broadcast %add3A_135 : i32 to vector<7x1xi32>
    %add3A_137 = arith.addi %mul3A_134, %add3A_136 : vector<7x1xi32>
    %mul3A_138 = arith.constant 14 : i32
    %mul3A_139 = arith.muli %mul3A_138, %arg0 : i32
    %add3A_140 = vector.broadcast %mul3A_139 : i32 to vector<7x1xi32>
    %add3A_141 = arith.addi %broadcast_in_dim3A_107, %add3A_140 : vector<7x1xi32>
    %mul3A_142 = arith.constant 2 : i32
    %mul3A_143 = vector.broadcast %mul3A_142 : i32 to vector<7x1xi32>
    %mul3A_144 = arith.muli %mul3A_143, %add3A_141 : vector<7x1xi32>
    %add3A_145 = arith.constant 1 : i32
    %add3A_146 = vector.broadcast %add3A_145 : i32 to vector<7x1xi32>
    %add3A_147 = arith.addi %mul3A_144, %add3A_146 : vector<7x1xi32>
    %concatenate3A = tpu.concatenate %mul3A_114, %add3A_117, %mul3A_124, %add3A_127, %mul3A_134, %add3A_137, %mul3A_144, %add3A_147 in 1 : vector<7x1xi32>, vector<7x1xi32>, vector<7x1xi32>, vector<7x1xi32>, vector<7x1xi32>, vector<7x1xi32>, vector<7x1xi32>, vector<7x1xi32> -> vector<7x8xi32>
    %swap3A = arith.constant 0 : index
    %swap3A_148 = arith.constant 0 : index
    %swap3A_149 = arith.constant 0 : index
    %swap3A_150 = vector.load %arg5[%swap3A, %swap3A_148, %swap3A_149] : memref<1x7x8xi32, #tpu.memory_space<vmem>>, vector<1x7x8xi32>
    %swap3A_151 = vector.shape_cast %swap3A_150 : vector<1x7x8xi32> to vector<7x8xi32>
    %swap3A_152 = vector.shape_cast %concatenate3A : vector<7x8xi32> to vector<1x7x8xi32>
    tpu.vector_store %arg5[%swap3A, %swap3A_148, %swap3A_149], %swap3A_152 {strides = array<i32>} : memref<1x7x8xi32, #tpu.memory_space<vmem>>, vector<1x7x8xi32>,
    return
  }
  func.func @transform_0(%arg0: i32) -> (i32, i32, i32, i32) {
    %c0_i32 = arith.constant 0 : i32
    %c0_i32_0 = arith.constant 0 : i32
    %c0_i32_1 = arith.constant 0 : i32
    %c0_i32_2 = arith.constant 0 : i32
    return %arg0, %c0_i32, %c0_i32_0, %c0_i32_1 : i32, i32, i32, i32
  }
  func.func @transform_1(%arg0: i32) -> (i32, i32, i32, i32) {
    %c0_i32 = arith.constant 0 : i32
    %c0_i32_0 = arith.constant 0 : i32
    %c0_i32_1 = arith.constant 0 : i32
    %c0_i32_2 = arith.constant 0 : i32
    return %arg0, %c0_i32, %c0_i32_0, %c0_i32_1 : i32, i32, i32, i32
  }
  func.func @transform_2(%arg0: i32) -> (i32, i32, i32, i32) {
    %c0_i32 = arith.constant 0 : i32
    %c0_i32_0 = arith.constant 0 : i32
    %c0_i32_1 = arith.constant 0 : i32
    %c0_i32_2 = arith.constant 0 : i32
    return %arg0, %c0_i32, %c0_i32_0, %c0_i32_1 : i32, i32, i32, i32
  }
  func.func @transform_3(%arg0: i32) -> (i32, i32, i32, i32) {
    %c0_i32 = arith.constant 0 : i32
    %c0_i32_0 = arith.constant 0 : i32
    %c0_i32_1 = arith.constant 0 : i32
    %c0_i32_2 = arith.constant 0 : i32
    return %arg0, %c0_i32, %c0_i32_0, %c0_i32_1 : i32, i32, i32, i32
  }
  func.func @transform_4(%arg0: i32) -> (i32, i32, i32) {
    %c0_i32 = arith.constant 0 : i32
    %c0_i32_0 = arith.constant 0 : i32
    %c0_i32_1 = arith.constant 0 : i32
    return %arg0, %c0_i32, %c0_i32_0 : i32, i32, i32
  }
}

</mosaic_0001>

<sc_bundles>
// kernel: kernel.5.cloned.1.call-start
scs
__scs_entry_jumppad:
0x0: {  	(pc) =	sbr.rel $0x88, $3  }
0x1: {  	(tag) =	ssettag $0x0;
	lr =	simm.s32 $0x1  }
0x2: {  	[smem:$0x3F9F] =	sst lr;
	_ =	strace $0xD0000000  }
0x3: {  	_ = 	snop  }
0x4: {  	_ = 	snop  }
0x5: {  	_ = 	snop  }
0x6: {  	_ = 	snop  }
0x7: {  	_ = 	snop  }
__scs_overlays_trampoline_lowered:
0x8: {  	[smem:$0x3FAE] =	sst s0  }
0x9: {  	[smem:$0x3FAF] =	sst s1  }
0xa: {  	[smem:$0x3FB0] =	sst s2  }
0xb: {  	[smem:$0x3FB1] =	sst s3  }
0xc: {  	[smem:$0x3FB2] =	sst s4  }
0xd: {  	[smem:$0x3FB3] =	sst s5  }
0xe: {  	[smem:$0x3FB4] =	sst s6  }
0xf: {  	[smem:$0x3FB5] =	sst s7  }
0x10: {  	[smem:$0x3FB6] =	sst s8  }
0x11: {  	[smem:$0x3FB7] =	sst s9;
	s0 =	simm.s32 @!p0 $0x0  }
0x12: {  	s1 =	sld [smem:$0x3F9D];
	s0 =	simm.s32 @p0 $0x1  }
0x13: {  	[smem:$0x3FB8] =	sst s0;
	s0 =	simm.s32 @!p1 $0x0  }
0x14: {  	s2 =	sld [smem:$0x3F9C];
	s0 =	simm.s32 @p1 $0x1  }
0x15: {  	[smem:$0x3FB9] =	sst s0;
	s0 =	simm.s32 @!p2 $0x0  }
0x16: {  	s3 =	sld [smem:$0x3FDB];
	s0 =	simm.s32 @p2 $0x1  }
0x17: {  	s4 =	simm.s32 $0x1BF5;
	[smem:$0x3FBB] =	sst s0  }
0x18: {  	s0 =	sld [smem:$0x3F9E];
	_ =	swait.ge [sflag:s4], $0x0  }
0x19: {  	s7 =	sld [smem:$0x3F9F]  }
0x1a: {  	s8 =	sadd.s32 $0xFFFFE003, lr  }
0x1b: {  	s9 =	sadd.s32 $0xFFFFFEF7, lr;
	s5 =	simm.s32 $0xFFFFFFFF;
	p2 =	slt.u32 s8, $0xFFFFF086  }
0x1c: {  	p1 =	slt.u32 s9, $0xF7A;
	s5 =	simm.s32 @!p2 $0x0  }
0x1d: {  	s5 =	simm.s32 @p1 $0x1;
	p0 =	seq.s32 s7, s2  }
0x1e: {  	s7 =	smul.u32 @!p0 $0xF7A, s2;
	p2 =	seq.s32 @!p0 s5, $0x0  }
0x1f: {  	s9 =	smul.u32 $0xF7A, s1;
	s8 =	simm.s32 @!p0 $0x1BF5;
	p2 =	por !p2, p0  }
0x20: {  	[sflag:s8] =	ssyncset.s32 @!p0 $0xFFFFF086;
	s6 =	sadd.s32 @!p0 s3, s7;
	s7 =	simm.s32 @!p0 $0x108  }
0x21: {  	s3 =	sadd.s32 s3, s9;
	s6 =	sadd.s32 @!p0 $0x88, s6;
	s7 =	simm.s32 @p2 $0x1082  }
0x22: {  	[simem:s7], [sflag:s8] =	dma.local @!p0 [hbm:s6], $0xF7A  }
0x23: {  	s9 =	sor.u32 $0xD0000000, s2;
	s6 =	simm.s32 $0x108;
	_ =	swait.ge @!p0 [sflag:s8], $0x0  }
0x24: {  	s3 =	sadd.s32 $0x88, s3;
	s6 =	simm.s32 @!p1 $0x1082;
	[sflag:s4] =	ssyncset.s32 $0xFFFFF086  }
0x25: {  	[simem:s6], [sflag:s4] =	dma.local [hbm:s3], $0xF7A  }
0x26: {  	[smem:$0x3F9F] =	sst s1;
	(tag) =	ssettag s2;
	_ =	strace s9  }
0x27: {  	s1 =	sld [smem:$0x3FAF]  }
0x28: {  	s2 =	sld [smem:$0x3FB0]  }
0x29: {  	s4 =	sld [smem:$0x3FB2]  }
0x2a: {  	p0 =	seq.s32 s5, $0x0;
	s5 =	sld [smem:$0x3FB3]  }
0x2b: {  	s6 =	sld [smem:$0x3FB4]  }
0x2c: {  	s7 =	sld [smem:$0x3FB5]  }
0x2d: {  	s3 =	simm.s32 $0x108;
	s8 =	sld [smem:$0x3FB6]  }
0x2e: {  	s3 =	simm.s32 @!p0 $0x1082;
	s9 =	sld [smem:$0x3FB7]  }
0x2f: {  	lr =	sadd.s32 s0, s3;
	s0 =	sld [smem:$0x3FAE]  }
0x30: {  	s3 =	sld [smem:$0x3FB1]  }
0x31: {  	[smem:$0x3FBA] =	sst s10  }
0x32: {  	s10 =	sld [smem:$0x3FB8];
	_ =	sdelay $0x3  }
0x33: {  	p0 =	seq.s32 s10, $0x1;
	s10 =	sld [smem:$0x3FBA];
	_ =	sdelay $0x3  }
0x34: {  	[smem:$0x3FBA] =	sst s10  }
0x35: {  	s10 =	sld [smem:$0x3FB9];
	_ =	sdelay $0x3  }
0x36: {  	p1 =	seq.s32 s10, $0x1;
	s10 =	sld [smem:$0x3FBA];
	_ =	sdelay $0x3  }
0x37: {  	[smem:$0x3FBA] =	sst s10  }
0x38: {  	s10 =	sld [smem:$0x3FBB]  }
0x39: {  	_ = 	snop;
	(pc) =	sbr.ind lr, $3  }
0x3a: {  	_ = 	snop  }
0x3b: {  	_ = 	snop  }
0x3c: {  	p2 =	seq.s32 s10, $0x1;
	s10 =	sld [smem:$0x3FBA]  }
0x3d: {  	_ =	shalt  }
0x3e: {  	_ =	shalt  }
0x3f: {  	_ =	shalt  }
0x40: {  	_ =	shalt  }
0x41: {  	_ =	shalt  }
0x42: {  	_ =	shalt  }
0x43: {  	_ =	shalt  }
0x44: {  	_ =	shalt  }
0x45: {  	_ =	shalt  }
0x46: {  	_ =	shalt  }
0x47: {  	_ =	shalt  }
0x48: {  	_ =	shalt  }
0x49: {  	_ =	shalt  }
0x4a: {  	_ =	shalt  }
0x4b: {  	_ =	shalt  }
0x4c: {  	_ =	shalt  }
0x4d: {  	_ =	shalt  }
0x4e: {  	_ =	shalt  }
0x4f: {  	_ =	shalt  }
0x50: {  	_ =	shalt  }
0x51: {  	_ =	shalt  }
0x52: {  	_ =	shalt  }
0x53: {  	_ =	shalt  }
0x54: {  	_ =	shalt  }
0x55: {  	_ =	shalt  }
0x56: {  	_ =	shalt  }
0x57: {  	_ =	shalt  }
0x58: {  	_ =	shalt  }
0x59: {  	_ =	shalt  }
0x5a: {  	_ =	shalt  }
0x5b: {  	_ =	shalt  }
0x5c: {  	_ =	shalt  }
0x5d: {  	_ =	shalt  }
0x5e: {  	_ =	shalt  }
0x5f: {  	_ =	shalt  }
0x60: {  	_ =	shalt  }
0x61: {  	_ =	shalt  }
0x62: {  	_ =	shalt  }
0x63: {  	_ =	shalt  }
0x64: {  	_ =	shalt  }
0x65: {  	_ =	shalt  }
0x66: {  	_ =	shalt  }
0x67: {  	_ =	shalt  }
0x68: {  	_ =	shalt  }
0x69: {  	_ =	shalt  }
0x6a: {  	_ =	shalt  }
0x6b: {  	_ =	shalt  }
0x6c: {  	_ =	shalt  }
0x6d: {  	_ =	shalt  }
0x6e: {  	_ =	shalt  }
0x6f: {  	_ =	shalt  }
0x70: {  	_ =	shalt  }
0x71: {  	_ =	shalt  }
0x72: {  	_ =	shalt  }
0x73: {  	_ =	shalt  }
0x74: {  	_ =	shalt  }
0x75: {  	_ =	shalt  }
0x76: {  	_ =	shalt  }
0x77: {  	_ =	shalt  }
0x78: {  	_ =	shalt  }
0x79: {  	_ =	shalt  }
0x7a: {  	_ =	shalt  }
0x7b: {  	_ =	shalt  }
0x7c: {  	_ =	shalt  }
0x7d: {  	_ =	shalt  }
0x7e: {  	_ =	shalt  }
0x7f: {  	_ =	shalt  }
0x80: {  	_ =	shalt  }
0x81: {  	_ =	shalt  }
0x82: {  	_ =	shalt  }
0x83: {  	_ =	shalt  }
0x84: {  	_ =	shalt  }
0x85: {  	_ =	shalt  }
0x86: {  	_ =	shalt  }
0x87: {  	_ =	shalt  }
.Lfunc_end0:
.L_simem_size_0:
called_computation_lowered:
.L_overlay_start_0:
0x88: {  	s2 =	sld [smem:$0x3FD9]  }
0x89: {  	s3 =	sld [smem:$0x3FFE];
	_ =	sdelay $0x1  }
0x8a: {  	s1 =	srdreg.scid  }
0x8b: {  	s0 =	sand.u32 $0x1, s1  }
0x8c: {  	s17 =	sshll.u32 s0, $0xA;
	s2 =	sadd.s32 s3, s2  }
0x8d: {  	s2 =	sadd.s32 s2, s17  }
0x8e: {  	[smem:$0x3FC6] =	sst s2  }
0x8f: {  	_ = 	snop  }
0x90: {  	s2 =	sld [smem:$0x3FD0];
	(tm) =	ssettm $0x1  }
0x91: {  	s18 =	sld [smem:$0x3FFB];
	_ =	sdelay $0x3  }
0x92: {  	_ =	strace s18  }
0x93: {  	s3 =	sld [smem:$0x3FFC];
	_ =	sdelay $0x3  }
0x94: {  	_ =	strace s3  }
0x95: {  	s3 =	sld [smem:$0x3FFD];
	_ =	sdelay $0x3  }
0x96: {  	_ =	strace s3  }
0x97: {  	_ =	strace $0x8FFFFFFF  }
0x98: {  	s19 =	sld [smem:$0x3FDB];
	_ =	sdelay $0x1  }
0x99: {  	s4 =	simm.s32 $_scs_section_size  }
0x9a: {  	s5 =	simm.s32 $_size__tile_overlayer_lowered;
	s6 =	simm.s32 $_tile_overlayer_lowered  }
0x9b: {  	s22 =	simm.s32 $0x1BFF;
	s21 =	sshll.u32 s6, $0x1;
	s3 =	sadd.s32 s4, s19  }
0x9c: {  	s7 =	simm.s32 $0x0;
	s20 =	sshll.u32 s5, $0x1;
	s5 =	sadd.s32 s21, s3  }
0x9d: {  	[timem:s7], [sflag:s22] =	dma.local [hbm:s5], s20  }
0x9e: {  	_ =	swait.ge [sflag:s22], s20  }
0x9f: {  	s4 =	ssub.s32 $0x0, s20;
	[sflag:s22] =	ssyncset.done $0x0  }
0xa0: {  	[sflag:s22] =	ssyncadd.s32 s4;
	_ =	sdelay $0x1  }
0xa1: {  	s23 =	simm.s32 $0x1B8B  }
0xa2: {  	_ =	swait.ge [sflag:s23], $0x1  }
0xa3: {  	[sflag:s23] =	ssyncset.done $0x0  }
0xa4: {  	s25 =	simm.s32 $0x1B8E;
	s24 =	sld [smem:$0x3FFE];
	[sflag:s23] =	ssyncadd.s32 $0xFFFFFFFF  }
0xa5: {  	s26 =	simm.s32 $execute0_lowered;
	[smem:$0x3FD2] =	sst s25  }
0xa6: {  	s5 =	sshll.u32 s26, $0x1;
	_ =	strace $0x80000046;
	[dreg:$0x1] =	wrdreg $0xFFFFFFFF  }
0xa7: {  	s28 =	simm.s32 $_size_execute0_lowered;
	s3 =	sadd.s32 s3, s5;
	[dreg:$0x0] =	wrdreg $0x0  }
0xa8: {  	s5 =	sshll.u32 s28, $0x1;
	[dreg:$0x2] =	wrdreg s3  }
0xa9: {  	[dreg:$0x3] =	wrdreg s5  }
0xaa: {  	[dreg:$0x4] =	wrdreg $0xC0  }
0xab: {  	_ =	task [dreg:s7], $0x5FFFF  }
0xac: {  	[dreg:$0x1] =	wrdreg $0xFFFFFFFF  }
0xad: {  	[dreg:$0x0] =	wrdreg $0x60  }
0xae: {  	[dreg:$0x2] =	wrdreg s24  }
0xaf: {  	[dreg:$0x3] =	wrdreg s2  }
0xb0: {  	[dreg:$0x4] =	wrdreg $0x9  }
0xb1: {  	_ =	task.clear_ibuf [dreg:s7], $0x5FFFF;
	_ =	strace $0x90000046  }
0xb2: {  	s29 =	simm.s32 $0x9;
	_ =	strace $0x80000048  }
0xb3: {  	_ =	swait.ge [sflag:s29], $0x1  }
0xb4: {  	[sflag:s29] =	ssyncadd.s32 $0xFFFFFFFF  }
0xb5: {  	_ =	strace $0x90000048  }
0xb6: {  	_ =	sfence  }
0xb7: {  	s30 =	sld [smem:$0x0];
	_ =	sdelay $0x2  }
0xb8: {  	s31 =	sshll.u32 s1, $0xD;
	s1 =	sshrl.u32 s1, $0x2  }
0xb9: {  	s3 =	sand.u32 $0x4000, s31;
	s1 =	sadd.s32 s1, s30  }
0xba: {  	s0 =	sor.u32 s3, s0;
	s1 =	sshll.u32 s1, $0x11  }
0xbb: {  	s0 =	sor.u32 s1, s0  }
0xbc: {  	s0 =	sadd.s32 $0x8F2B, s0  }
0xbd: {  	[sflag:s0] =	ssyncadd.remote.s32 $0x1  }
0xbe: {  	_ =	sfence.sel $0xFFFF  }
0xbf: {  	[dreg:$0x0] =	wrdreg $0xFFFFFFFF;
	(pc) =	sbr.abs _section_cstart, $3  }
0xc0: {  	[dreg:$0x1] =	wrdreg $0xFFFFFFFF  }
0xc1: {  	_ =	task.clear_ibuf [dreg:s7], $0x2FFFF;
	_ =	strace $0x9FFFFFFF  }
0xc2: {  	(tm) =	ssettm $0x7FFFFFFF  }
0xc3: {  	_ =	shalt  }
tec
execute0_lowered:
.L_overlay_start_1:
0x0: {  	(tag) =	ssettag $0x1  }
0x1: {  	s0 =	rddreg [dreg:$0x0];
	s1 =	srdreg.scid  }
0x2: {  	s2 =	stileid.u32;
	s4 =	rddreg [dreg:$0x1]  }
0x3: {  	s21 =	simm.s32 $0x3;
	s28 =	simm.s32 $0x1;
	s24 =	simm.s32 $0x2  }
0x4: {  	s1 =	sand.u32 $0x1, s1;
	s3 =	sshll.u32 s2, $0x1;
	s2 =	simm.s32 $0x0  }
0x5: {  	s9 =	sadd.s32 $0xE0400, s0;
	s19 =	sadd.s32 $0x1300, s0;
	s5 =	sor.u32 s1, s3  }
0x6: {  	[smem:$0x7FF] =	sst s2;
	s1 =	ssub.s32 $0x2, s1;
	s6 =	smul.u32 $0xE, s5  }
0x7: {  	s3 =	sadd.s32 $0x400, s0;
	s7 =	smul.u32 $0xE000, s5;
	s8 =	sshrl.u32 s1, $0x1  }
0x8: {  	_ =	strace $0x80000047;
	s5 =	smul.u32 $0x70000, s5;
	s1 =	ssub.s32 s1, s8  }
0x9: {  	s8 =	sadd.s32 $0x800, s0;
	s4 =	sadd.s32 s4, s6;
	s29 =	sadd.s32 s9, s7  }
0xa: {  	s30 =	sshrl.u32 s5, $0x3;
	s5 =	sadd.s32 $0x500, s0;
	[dreg:$0x3] =	wrdreg s4  }
0xb: {  	[dreg:$0x11] =	wrdreg s29;
	s7 =	sadd.s32 $0x1000, s29;
	s4 =	sadd.s32 s9, s30  }
0xc: {  	s6 =	sadd.s32 $0x600, s0;
	[dreg:$0x4] =	wrdreg s7;
	s31 =	sadd.s32 $0x2000, s4  }
0xd: {  	s7 =	sadd.s32 $0x700, s0;
	s9 =	sadd.s32 $0x3000, s4;
	[dreg:$0x5] =	wrdreg s31  }
0xe: {  	s10 =	sadd.s32 $0x4000, s4;
	s11 =	sadd.s32 $0x5000, s4;
	[dreg:$0x6] =	wrdreg s9  }
0xf: {  	s12 =	sadd.s32 $0x6000, s4;
	s13 =	sadd.s32 $0x7000, s4;
	[dreg:$0x7] =	wrdreg s10  }
0x10: {  	s14 =	sadd.s32 $0x8000, s4;
	s15 =	sadd.s32 $0x9000, s4;
	[dreg:$0x8] =	wrdreg s11  }
0x11: {  	s16 =	sadd.s32 $0xA000, s4;
	s17 =	sadd.s32 $0xB000, s4;
	[dreg:$0x9] =	wrdreg s12  }
0x12: {  	s18 =	sadd.s32 $0xC000, s4;
	s4 =	sadd.s32 $0xD000, s4;
	[dreg:$0xa] =	wrdreg s13  }
0x13: {  	s9 =	sadd.s32 $0x900, s0;
	s10 =	sadd.s32 $0xA00, s0;
	[dreg:$0xb] =	wrdreg s14  }
0x14: {  	s11 =	sadd.s32 $0xB00, s0;
	s12 =	sadd.s32 $0xC00, s0;
	[dreg:$0xc] =	wrdreg s15  }
0x15: {  	s13 =	sadd.s32 $0xD00, s0;
	s14 =	sadd.s32 $0xE00, s0;
	[dreg:$0xd] =	wrdreg s16  }
0x16: {  	v0 =	vlaneseq.u32;
	s15 =	sadd.s32 $0xF00, s0;
	s16 =	sadd.s32 $0x1000, s0;
	[dreg:$0xe] =	wrdreg s17  }
0x17: {  	v1 =	vshrl.u32 v0, $0x3;
	s17 =	sadd.s32 $0x1100, s0;
	[dreg:$0xf] =	wrdreg s18;
	s18 =	sadd.s32 $0x1200, s0  }
0x18: {  	vm0 =	vmmov $0xffff;
	v0 =	vand.u32 $0x7, v0;
	v1 =	vmul.u32 $0x8, v1;
	[dreg:$0x10] =	wrdreg s4;
	s0 =	smax.u32 s1, $0x1;
	s1 =	simm.s32 $0x8080  }
.LBB2_1:
0x19: {  	[dreg:$0x12] =	wrdreg s0  }
0x1a: {  	s25 =	rddreg [dreg:$0x3]  }
0x1b: {  	[tilespmem:s2], [sflag:$0x3] =	stream.linear.gather [hbm4b:s25+s2], $0x70, $0x38;
	[tilespmem:$0x10080] =	vst v63  }
0x1c: {  	_ =	swait.ge [sflag:s21], $0x70  }
0x1d: {  	[sflag:s21] =	ssyncset.done $0x0  }
0x1e: {  	[sflag:s21] =	ssyncadd.s32 $0xFFFFFF90  }
0x1f: {  	v2 =	vld.msk [tilespmem:$0x0], $0xff;
	_ =	sdelay $0x4  }
0x20: {  	v3 =	vshll.u32 v2, $0x5  }
0x21: {  	v2 =	vand.u32 $0x7, v2;
	v3 =	vand.u32 $0xFFFFFF00, v3  }
0x22: {  	v2 =	vor.u32 v2, v3  }
0x23: {  	v2 =	vperm.xlane v2, v0;
	_ =	sdelay $0x1  }
0x24: {  	v2 =	vadd.s32 v1, v2;
	_ =	sdelay $0x3  }
0x25: {  	s20 =	simm.s32 $0x80  }
0x26: {  	[tilespmem:s20], [sflag:$0x1] =	stream.indirect_vreg.gather [hbm4b:s3+s2], $0x80, v2, vm0, $0xb8;
	[tilespmem:$0x10080] =	vst v63  }
0x27: {  	s22 =	simm.s32 $0x880  }
0x28: {  	[tilespmem:s22], [sflag:$0x1] =	stream.indirect_vreg.gather [hbm4b:s5+s2], $0x80, v2, vm0, $0xb8;
	[tilespmem:$0x10080] =	vst v63  }
0x29: {  	s23 =	simm.s32 $0x1080  }
0x2a: {  	[tilespmem:s23], [sflag:$0x1] =	stream.indirect_vreg.gather [hbm4b:s6+s2], $0x80, v2, vm0, $0xb8;
	[tilespmem:$0x10080] =	vst v63  }
0x2b: {  	s25 =	simm.s32 $0x1880  }
0x2c: {  	[tilespmem:s25], [sflag:$0x1] =	stream.indirect_vreg.gather [hbm4b:s7+s2], $0x80, v2, vm0, $0xb8;
	[tilespmem:$0x10080] =	vst v63  }
0x2d: {  	s26 =	simm.s32 $0x2080  }
0x2e: {  	[tilespmem:s26], [sflag:$0x1] =	stream.indirect_vreg.gather [hbm4b:s8+s2], $0x80, v2, vm0, $0xb8;
	[tilespmem:$0x10080] =	vst v63  }
0x2f: {  	s29 =	simm.s32 $0x2880  }
0x30: {  	[tilespmem:s29], [sflag:$0x1] =	stream.indirect_vreg.gather [hbm4b:s9+s2], $0x80, v2, vm0, $0xb8;
	[tilespmem:$0x10080] =	vst v63  }
0x31: {  	s30 =	simm.s32 $0x3080  }
0x32: {  	[tilespmem:s30], [sflag:$0x1] =	stream.indirect_vreg.gather [hbm4b:s10+s2], $0x80, v2, vm0, $0xb8;
	[tilespmem:$0x10080] =	vst v63  }
0x33: {  	s31 =	simm.s32 $0x3880  }
0x34: {  	[tilespmem:s31], [sflag:$0x1] =	stream.indirect_vreg.gather [hbm4b:s11+s2], $0x80, v2, vm0, $0xb8;
	[tilespmem:$0x10080] =	vst v63  }
0x35: {  	s4 =	simm.s32 $0x4080  }
0x36: {  	[tilespmem:s4], [sflag:$0x1] =	stream.indirect_vreg.gather [hbm4b:s12+s2], $0x80, v2, vm0, $0xb8;
	[tilespmem:$0x10080] =	vst v63  }
0x37: {  	s25 =	simm.s32 $0x4880  }
0x38: {  	[tilespmem:s25], [sflag:$0x1] =	stream.indirect_vreg.gather [hbm4b:s13+s2], $0x80, v2, vm0, $0xb8;
	[tilespmem:$0x10080] =	vst v63  }
0x39: {  	s4 =	simm.s32 $0x5080  }
0x3a: {  	[tilespmem:s4], [sflag:$0x1] =	stream.indirect_vreg.gather [hbm4b:s14+s2], $0x80, v2, vm0, $0xb8;
	[tilespmem:$0x10080] =	vst v63  }
0x3b: {  	s25 =	simm.s32 $0x5880  }
0x3c: {  	[tilespmem:s25], [sflag:$0x1] =	stream.indirect_vreg.gather [hbm4b:s15+s2], $0x80, v2, vm0, $0xb8;
	[tilespmem:$0x10080] =	vst v63  }
0x3d: {  	s4 =	simm.s32 $0x6080  }
0x3e: {  	[tilespmem:s4], [sflag:$0x1] =	stream.indirect_vreg.gather [hbm4b:s16+s2], $0x80, v2, vm0, $0xb8;
	[tilespmem:$0x10080] =	vst v63  }
0x3f: {  	s25 =	simm.s32 $0x6880  }
0x40: {  	[tilespmem:s25], [sflag:$0x1] =	stream.indirect_vreg.gather [hbm4b:s17+s2], $0x80, v2, vm0, $0xb8;
	[tilespmem:$0x10080] =	vst v63  }
0x41: {  	s4 =	simm.s32 $0x7080  }
0x42: {  	[tilespmem:s4], [sflag:$0x1] =	stream.indirect_vreg.gather [hbm4b:s18+s2], $0x80, v2, vm0, $0xb8;
	[tilespmem:$0x10080] =	vst v63  }
0x43: {  	s25 =	simm.s32 $0x7880  }
0x44: {  	[tilespmem:s25], [sflag:$0x1] =	stream.indirect_vreg.gather [hbm4b:s19+s2], $0x80, v2, vm0, $0xb8;
	[tilespmem:$0x10080] =	vst v63  }
0x45: {  	_ =	swait.ge [sflag:s28], $0x8000  }
0x46: {  	[sflag:s28] =	ssyncset.done $0x0  }
0x47: {  	[sflag:s28] =	ssyncadd.s32 $0xFFFF8000  }
0x48: {  	v2 =	vld.msk [tilespmem:$0x8], $0xff;
	_ =	sdelay $0x4  }
0x49: {  	v3 =	vshll.u32 v2, $0x5  }
0x4a: {  	v2 =	vand.u32 $0x7, v2;
	v3 =	vand.u32 $0xFFFFFF00, v3  }
0x4b: {  	v2 =	vor.u32 v2, v3  }
0x4c: {  	v2 =	vperm.xlane v2, v0;
	_ =	sdelay $0x1  }
0x4d: {  	v2 =	vadd.s32 v1, v2;
	_ =	sdelay $0x4  }
0x4e: {  	[tilespmem:s1], [sflag:$0x2] =	stream.indirect_vreg.gather [hbm4b:s3+s2], $0x80, v2, vm0, $0xb8;
	[tilespmem:$0x10080] =	vst v63  }
0x4f: {  	s4 =	simm.s32 $0x8880  }
0x50: {  	[tilespmem:s4], [sflag:$0x2] =	stream.indirect_vreg.gather [hbm4b:s5+s2], $0x80, v2, vm0, $0xb8;
	[tilespmem:$0x10080] =	vst v63  }
0x51: {  	s25 =	simm.s32 $0x9080  }
0x52: {  	[tilespmem:s25], [sflag:$0x2] =	stream.indirect_vreg.gather [hbm4b:s6+s2], $0x80, v2, vm0, $0xb8;
	[tilespmem:$0x10080] =	vst v63  }
0x53: {  	s4 =	simm.s32 $0x9880  }
0x54: {  	[tilespmem:s4], [sflag:$0x2] =	stream.indirect_vreg.gather [hbm4b:s7+s2], $0x80, v2, vm0, $0xb8;
	[tilespmem:$0x10080] =	vst v63  }
0x55: {  	s25 =	simm.s32 $0xA080  }
0x56: {  	[tilespmem:s25], [sflag:$0x2] =	stream.indirect_vreg.gather [hbm4b:s8+s2], $0x80, v2, vm0, $0xb8;
	[tilespmem:$0x10080] =	vst v63  }
0x57: {  	s4 =	simm.s32 $0xA880  }
0x58: {  	[tilespmem:s4], [sflag:$0x2] =	stream.indirect_vreg.gather [hbm4b:s9+s2], $0x80, v2, vm0, $0xb8;
	[tilespmem:$0x10080] =	vst v63  }
0x59: {  	s25 =	simm.s32 $0xB080  }
0x5a: {  	[tilespmem:s25], [sflag:$0x2] =	stream.indirect_vreg.gather [hbm4b:s10+s2], $0x80, v2, vm0, $0xb8;
	[tilespmem:$0x10080] =	vst v63  }
0x5b: {  	s4 =	simm.s32 $0xB880  }
0x5c: {  	[tilespmem:s4], [sflag:$0x2] =	stream.indirect_vreg.gather [hbm4b:s11+s2], $0x80, v2, vm0, $0xb8;
	[tilespmem:$0x10080] =	vst v63  }
0x5d: {  	s25 =	simm.s32 $0xC080  }
0x5e: {  	[tilespmem:s25], [sflag:$0x2] =	stream.indirect_vreg.gather [hbm4b:s12+s2], $0x80, v2, vm0, $0xb8;
	[tilespmem:$0x10080] =	vst v63  }
0x5f: {  	s4 =	simm.s32 $0xC880  }
0x60: {  	[tilespmem:s4], [sflag:$0x2] =	stream.indirect_vreg.gather [hbm4b:s13+s2], $0x80, v2, vm0, $0xb8;
	[tilespmem:$0x10080] =	vst v63  }
0x61: {  	s25 =	simm.s32 $0xD080  }
0x62: {  	[tilespmem:s25], [sflag:$0x2] =	stream.indirect_vreg.gather [hbm4b:s14+s2], $0x80, v2, vm0, $0xb8;
	[tilespmem:$0x10080] =	vst v63  }
0x63: {  	s4 =	simm.s32 $0xD880  }
0x64: {  	[tilespmem:s4], [sflag:$0x2] =	stream.indirect_vreg.gather [hbm4b:s15+s2], $0x80, v2, vm0, $0xb8;
	[tilespmem:$0x10080] =	vst v63  }
0x65: {  	s25 =	simm.s32 $0xE080  }
0x66: {  	[tilespmem:s25], [sflag:$0x2] =	stream.indirect_vreg.gather [hbm4b:s16+s2], $0x80, v2, vm0, $0xb8;
	[tilespmem:$0x10080] =	vst v63  }
0x67: {  	s4 =	simm.s32 $0xE880  }
0x68: {  	[tilespmem:s4], [sflag:$0x2] =	stream.indirect_vreg.gather [hbm4b:s17+s2], $0x80, v2, vm0, $0xb8;
	[tilespmem:$0x10080] =	vst v63  }
0x69: {  	s25 =	simm.s32 $0xF080  }
0x6a: {  	[tilespmem:s25], [sflag:$0x2] =	stream.indirect_vreg.gather [hbm4b:s18+s2], $0x80, v2, vm0, $0xb8;
	[tilespmem:$0x10080] =	vst v63  }
0x6b: {  	s4 =	simm.s32 $0xF880  }
0x6c: {  	[tilespmem:s4], [sflag:$0x2] =	stream.indirect_vreg.gather [hbm4b:s19+s2], $0x80, v2, vm0, $0xb8;
	[tilespmem:$0x10080] =	vst v63  }
0x6d: {  	s0 =	rddreg [dreg:$0x11];
	s4 =	simm.s32 $0x80  }
0x6e: {  	[hbm4b:s0+s2] =	stream.linear.scatter [tilespmem:s4], [sflag:$0x3], $0x8000, $0x38;
	[tilespmem:$0x10080] =	vst v63  }
0x6f: {  	_ =	swait.ge [sflag:s21], $0x8000  }
0x70: {  	[sflag:s21] =	ssyncset.done $0x0  }
0x71: {  	[sflag:s21] =	ssyncadd.s32 $0xFFFF8000  }
0x72: {  	_ =	swait.ge [sflag:s24], $0x8000  }
0x73: {  	[sflag:s24] =	ssyncset.done $0x0  }
0x74: {  	[sflag:s24] =	ssyncadd.s32 $0xFFFF8000  }
0x75: {  	v2 =	vld.msk [tilespmem:$0x10], $0xff;
	_ =	sdelay $0x4  }
0x76: {  	v3 =	vshll.u32 v2, $0x5  }
0x77: {  	v2 =	vand.u32 $0x7, v2;
	v3 =	vand.u32 $0xFFFFFF00, v3  }
0x78: {  	v2 =	vor.u32 v2, v3  }
0x79: {  	v2 =	vperm.xlane v2, v0;
	_ =	sdelay $0x1  }
0x7a: {  	v2 =	vadd.s32 v1, v2;
	_ =	sdelay $0x4  }
0x7b: {  	[tilespmem:s4], [sflag:$0x1] =	stream.indirect_vreg.gather [hbm4b:s3+s2], $0x80, v2, vm0, $0xb8;
	[tilespmem:$0x10080] =	vst v63  }
0x7c: {  	s20 =	simm.s32 $0x880  }
0x7d: {  	[tilespmem:s20], [sflag:$0x1] =	stream.indirect_vreg.gather [hbm4b:s5+s2], $0x80, v2, vm0, $0xb8;
	[tilespmem:$0x10080] =	vst v63  }
0x7e: {  	s22 =	simm.s32 $0x1080  }
0x7f: {  	[tilespmem:s22], [sflag:$0x1] =	stream.indirect_vreg.gather [hbm4b:s6+s2], $0x80, v2, vm0, $0xb8;
	[tilespmem:$0x10080] =	vst v63  }
0x80: {  	s23 =	simm.s32 $0x1880  }
0x81: {  	[tilespmem:s23], [sflag:$0x1] =	stream.indirect_vreg.gather [hbm4b:s7+s2], $0x80, v2, vm0, $0xb8;
	[tilespmem:$0x10080] =	vst v63  }
0x82: {  	s26 =	simm.s32 $0x2080  }
0x83: {  	[tilespmem:s26], [sflag:$0x1] =	stream.indirect_vreg.gather [hbm4b:s8+s2], $0x80, v2, vm0, $0xb8;
	[tilespmem:$0x10080] =	vst v63  }
0x84: {  	s29 =	simm.s32 $0x2880  }
0x85: {  	[tilespmem:s29], [sflag:$0x1] =	stream.indirect_vreg.gather [hbm4b:s9+s2], $0x80, v2, vm0, $0xb8;
	[tilespmem:$0x10080] =	vst v63  }
0x86: {  	s30 =	simm.s32 $0x3080  }
0x87: {  	[tilespmem:s30], [sflag:$0x1] =	stream.indirect_vreg.gather [hbm4b:s10+s2], $0x80, v2, vm0, $0xb8;
	[tilespmem:$0x10080] =	vst v63  }
0x88: {  	s31 =	simm.s32 $0x3880  }
0x89: {  	[tilespmem:s31], [sflag:$0x1] =	stream.indirect_vreg.gather [hbm4b:s11+s2], $0x80, v2, vm0, $0xb8;
	[tilespmem:$0x10080] =	vst v63  }
0x8a: {  	s4 =	simm.s32 $0x4080  }
0x8b: {  	[tilespmem:s4], [sflag:$0x1] =	stream.indirect_vreg.gather [hbm4b:s12+s2], $0x80, v2, vm0, $0xb8;
	[tilespmem:$0x10080] =	vst v63  }
0x8c: {  	s22 =	simm.s32 $0x4880  }
0x8d: {  	[tilespmem:s22], [sflag:$0x1] =	stream.indirect_vreg.gather [hbm4b:s13+s2], $0x80, v2, vm0, $0xb8;
	[tilespmem:$0x10080] =	vst v63  }
0x8e: {  	s23 =	simm.s32 $0x5080  }
0x8f: {  	[tilespmem:s23], [sflag:$0x1] =	stream.indirect_vreg.gather [hbm4b:s14+s2], $0x80, v2, vm0, $0xb8;
	[tilespmem:$0x10080] =	vst v63  }
0x90: {  	s25 =	simm.s32 $0x5880  }
0x91: {  	[tilespmem:s25], [sflag:$0x1] =	stream.indirect_vreg.gather [hbm4b:s15+s2], $0x80, v2, vm0, $0xb8;
	[tilespmem:$0x10080] =	vst v63  }
0x92: {  	s26 =	simm.s32 $0x6080  }
0x93: {  	[tilespmem:s26], [sflag:$0x1] =	stream.indirect_vreg.gather [hbm4b:s16+s2], $0x80, v2, vm0, $0xb8;
	[tilespmem:$0x10080] =	vst v63  }
0x94: {  	s29 =	simm.s32 $0x6880  }
0x95: {  	[tilespmem:s29], [sflag:$0x1] =	stream.indirect_vreg.gather [hbm4b:s17+s2], $0x80, v2, vm0, $0xb8;
	[tilespmem:$0x10080] =	vst v63  }
0x96: {  	s30 =	simm.s32 $0x7080  }
0x97: {  	[tilespmem:s30], [sflag:$0x1] =	stream.indirect_vreg.gather [hbm4b:s18+s2], $0x80, v2, vm0, $0xb8;
	[tilespmem:$0x10080] =	vst v63  }
0x98: {  	s20 =	simm.s32 $0x7880  }
0x99: {  	[tilespmem:s20], [sflag:$0x1] =	stream.indirect_vreg.gather [hbm4b:s19+s2], $0x80, v2, vm0, $0xb8;
	[tilespmem:$0x10080] =	vst v63  }
0x9a: {  	s31 =	rddreg [dreg:$0x4]  }
0x9b: {  	[hbm4b:s31+s2] =	stream.linear.scatter [tilespmem:s1], [sflag:$0x3], $0x8000, $0x38;
	[tilespmem:$0x10080] =	vst v63  }
0x9c: {  	_ =	swait.ge [sflag:s21], $0x8000  }
0x9d: {  	[sflag:s21] =	ssyncset.done $0x0  }
0x9e: {  	[sflag:s21] =	ssyncadd.s32 $0xFFFF8000  }
0x9f: {  	_ =	swait.ge [sflag:s28], $0x8000  }
0xa0: {  	[sflag:s28] =	ssyncset.done $0x0  }
0xa1: {  	[sflag:s28] =	ssyncadd.s32 $0xFFFF8000  }
0xa2: {  	v2 =	vld.msk [tilespmem:$0x18], $0xff;
	_ =	sdelay $0x4  }
0xa3: {  	v3 =	vshll.u32 v2, $0x5  }
0xa4: {  	v2 =	vand.u32 $0x7, v2;
	v3 =	vand.u32 $0xFFFFFF00, v3  }
0xa5: {  	v2 =	vor.u32 v2, v3  }
0xa6: {  	v2 =	vperm.xlane v2, v0;
	_ =	sdelay $0x1  }
0xa7: {  	v2 =	vadd.s32 v1, v2;
	_ =	sdelay $0x4  }
0xa8: {  	[tilespmem:s1], [sflag:$0x2] =	stream.indirect_vreg.gather [hbm4b:s3+s2], $0x80, v2, vm0, $0xb8;
	[tilespmem:$0x10080] =	vst v63  }
0xa9: {  	s22 =	simm.s32 $0x8880  }
0xaa: {  	[tilespmem:s22], [sflag:$0x2] =	stream.indirect_vreg.gather [hbm4b:s5+s2], $0x80, v2, vm0, $0xb8;
	[tilespmem:$0x10080] =	vst v63  }
0xab: {  	s29 =	simm.s32 $0x9080  }
0xac: {  	[tilespmem:s29], [sflag:$0x2] =	stream.indirect_vreg.gather [hbm4b:s6+s2], $0x80, v2, vm0, $0xb8;
	[tilespmem:$0x10080] =	vst v63  }
0xad: {  	s23 =	simm.s32 $0x9880  }
0xae: {  	[tilespmem:s23], [sflag:$0x2] =	stream.indirect_vreg.gather [hbm4b:s7+s2], $0x80, v2, vm0, $0xb8;
	[tilespmem:$0x10080] =	vst v63  }
0xaf: {  	s20 =	simm.s32 $0xA080  }
0xb0: {  	[tilespmem:s20], [sflag:$0x2] =	stream.indirect_vreg.gather [hbm4b:s8+s2], $0x80, v2, vm0, $0xb8;
	[tilespmem:$0x10080] =	vst v63  }
0xb1: {  	s26 =	simm.s32 $0xA880  }
0xb2: {  	[tilespmem:s26], [sflag:$0x2] =	stream.indirect_vreg.gather [hbm4b:s9+s2], $0x80, v2, vm0, $0xb8;
	[tilespmem:$0x10080] =	vst v63  }
0xb3: {  	s30 =	simm.s32 $0xB080  }
0xb4: {  	[tilespmem:s30], [sflag:$0x2] =	stream.indirect_vreg.gather [hbm4b:s10+s2], $0x80, v2, vm0, $0xb8;
	[tilespmem:$0x10080] =	vst v63  }
0xb5: {  	s31 =	simm.s32 $0xB880  }
0xb6: {  	[tilespmem:s31], [sflag:$0x2] =	stream.indirect_vreg.gather [hbm4b:s11+s2], $0x80, v2, vm0, $0xb8;
	[tilespmem:$0x10080] =	vst v63  }
0xb7: {  	s23 =	simm.s32 $0xC080  }
0xb8: {  	[tilespmem:s23], [sflag:$0x2] =	stream.indirect_vreg.gather [hbm4b:s12+s2], $0x80, v2, vm0, $0xb8;
	[tilespmem:$0x10080] =	vst v63  }
0xb9: {  	s22 =	simm.s32 $0xC880  }
0xba: {  	[tilespmem:s22], [sflag:$0x2] =	stream.indirect_vreg.gather [hbm4b:s13+s2], $0x80, v2, vm0, $0xb8;
	[tilespmem:$0x10080] =	vst v63  }
0xbb: {  	s25 =	simm.s32 $0xD080  }
0xbc: {  	[tilespmem:s25], [sflag:$0x2] =	stream.indirect_vreg.gather [hbm4b:s14+s2], $0x80, v2, vm0, $0xb8;
	[tilespmem:$0x10080] =	vst v63  }
0xbd: {  	s25 =	simm.s32 $0xD880  }
0xbe: {  	[tilespmem:s25], [sflag:$0x2] =	stream.indirect_vreg.gather [hbm4b:s15+s2], $0x80, v2, vm0, $0xb8;
	[tilespmem:$0x10080] =	vst v63  }
0xbf: {  	s25 =	simm.s32 $0xE080  }
0xc0: {  	[tilespmem:s25], [sflag:$0x2] =	stream.indirect_vreg.gather [hbm4b:s16+s2], $0x80, v2, vm0, $0xb8;
	[tilespmem:$0x10080] =	vst v63  }
0xc1: {  	s25 =	simm.s32 $0xE880  }
0xc2: {  	[tilespmem:s25], [sflag:$0x2] =	stream.indirect_vreg.gather [hbm4b:s17+s2], $0x80, v2, vm0, $0xb8;
	[tilespmem:$0x10080] =	vst v63  }
0xc3: {  	s25 =	simm.s32 $0xF080  }
0xc4: {  	[tilespmem:s25], [sflag:$0x2] =	stream.indirect_vreg.gather [hbm4b:s18+s2], $0x80, v2, vm0, $0xb8;
	[tilespmem:$0x10080] =	vst v63  }
0xc5: {  	s0 =	simm.s32 $0xF880  }
0xc6: {  	[tilespmem:s0], [sflag:$0x2] =	stream.indirect_vreg.gather [hbm4b:s19+s2], $0x80, v2, vm0, $0xb8;
	[tilespmem:$0x10080] =	vst v63  }
0xc7: {  	s25 =	rddreg [dreg:$0x5];
	s0 =	simm.s32 $0x80  }
0xc8: {  	[hbm4b:s25+s2] =	stream.linear.scatter [tilespmem:s0], [sflag:$0x3], $0x8000, $0x38;
	[tilespmem:$0x10080] =	vst v63  }
0xc9: {  	_ =	swait.ge [sflag:s21], $0x8000  }
0xca: {  	[sflag:s21] =	ssyncset.done $0x0  }
0xcb: {  	[sflag:s21] =	ssyncadd.s32 $0xFFFF8000  }
0xcc: {  	_ =	swait.ge [sflag:s24], $0x8000  }
0xcd: {  	[sflag:s24] =	ssyncset.done $0x0  }
0xce: {  	[sflag:s24] =	ssyncadd.s32 $0xFFFF8000  }
0xcf: {  	v2 =	vld.msk [tilespmem:$0x20], $0xff;
	_ =	sdelay $0x4  }
0xd0: {  	v3 =	vshll.u32 v2, $0x5  }
0xd1: {  	v2 =	vand.u32 $0x7, v2;
	v3 =	vand.u32 $0xFFFFFF00, v3  }
0xd2: {  	v2 =	vor.u32 v2, v3  }
0xd3: {  	v2 =	vperm.xlane v2, v0;
	_ =	sdelay $0x1  }
0xd4: {  	v2 =	vadd.s32 v1, v2;
	_ =	sdelay $0x4  }
0xd5: {  	[tilespmem:s0], [sflag:$0x1] =	stream.indirect_vreg.gather [hbm4b:s3+s2], $0x80, v2, vm0, $0xb8;
	[tilespmem:$0x10080] =	vst v63  }
0xd6: {  	s0 =	simm.s32 $0x880  }
0xd7: {  	[tilespmem:s0], [sflag:$0x1] =	stream.indirect_vreg.gather [hbm4b:s5+s2], $0x80, v2, vm0, $0xb8;
	[tilespmem:$0x10080] =	vst v63  }
0xd8: {  	s25 =	simm.s32 $0x1080  }
0xd9: {  	[tilespmem:s25], [sflag:$0x1] =	stream.indirect_vreg.gather [hbm4b:s6+s2], $0x80, v2, vm0, $0xb8;
	[tilespmem:$0x10080] =	vst v63  }
0xda: {  	s25 =	simm.s32 $0x1880  }
0xdb: {  	[tilespmem:s25], [sflag:$0x1] =	stream.indirect_vreg.gather [hbm4b:s7+s2], $0x80, v2, vm0, $0xb8;
	[tilespmem:$0x10080] =	vst v63  }
0xdc: {  	s25 =	simm.s32 $0x2080  }
0xdd: {  	[tilespmem:s25], [sflag:$0x1] =	stream.indirect_vreg.gather [hbm4b:s8+s2], $0x80, v2, vm0, $0xb8;
	[tilespmem:$0x10080] =	vst v63  }
0xde: {  	s25 =	simm.s32 $0x2880  }
0xdf: {  	[tilespmem:s25], [sflag:$0x1] =	stream.indirect_vreg.gather [hbm4b:s9+s2], $0x80, v2, vm0, $0xb8;
	[tilespmem:$0x10080] =	vst v63  }
0xe0: {  	s25 =	simm.s32 $0x3080  }
0xe1: {  	[tilespmem:s25], [sflag:$0x1] =	stream.indirect_vreg.gather [hbm4b:s10+s2], $0x80, v2, vm0, $0xb8;
	[tilespmem:$0x10080] =	vst v63  }
0xe2: {  	s25 =	simm.s32 $0x3880  }
0xe3: {  	[tilespmem:s25], [sflag:$0x1] =	stream.indirect_vreg.gather [hbm4b:s11+s2], $0x80, v2, vm0, $0xb8;
	[tilespmem:$0x10080] =	vst v63  }
0xe4: {  	_ = 	snop  }
0xe5: {  	[tilespmem:s4], [sflag:$0x1] =	stream.indirect_vreg.gather [hbm4b:s12+s2], $0x80, v2, vm0, $0xb8;
	[tilespmem:$0x10080] =	vst v63  }
0xe6: {  	s25 =	simm.s32 $0x4880  }
0xe7: {  	[tilespmem:s25], [sflag:$0x1] =	stream.indirect_vreg.gather [hbm4b:s13+s2], $0x80, v2, vm0, $0xb8;
	[tilespmem:$0x10080] =	vst v63  }
0xe8: {  	s25 =	simm.s32 $0x5080  }
0xe9: {  	[tilespmem:s25], [sflag:$0x1] =	stream.indirect_vreg.gather [hbm4b:s14+s2], $0x80, v2, vm0, $0xb8;
	[tilespmem:$0x10080] =	vst v63  }
0xea: {  	s25 =	simm.s32 $0x5880  }
0xeb: {  	[tilespmem:s25], [sflag:$0x1] =	stream.indirect_vreg.gather [hbm4b:s15+s2], $0x80, v2, vm0, $0xb8;
	[tilespmem:$0x10080] =	vst v63  }
0xec: {  	s25 =	simm.s32 $0x6080  }
0xed: {  	[tilespmem:s25], [sflag:$0x1] =	stream.indirect_vreg.gather [hbm4b:s16+s2], $0x80, v2, vm0, $0xb8;
	[tilespmem:$0x10080] =	vst v63  }
0xee: {  	s25 =	simm.s32 $0x6880  }
0xef: {  	[tilespmem:s25], [sflag:$0x1] =	stream.indirect_vreg.gather [hbm4b:s17+s2], $0x80, v2, vm0, $0xb8;
	[tilespmem:$0x10080] =	vst v63  }
0xf0: {  	s25 =	simm.s32 $0x7080  }
0xf1: {  	[tilespmem:s25], [sflag:$0x1] =	stream.indirect_vreg.gather [hbm4b:s18+s2], $0x80, v2, vm0, $0xb8;
	[tilespmem:$0x10080] =	vst v63  }
0xf2: {  	s4 =	simm.s32 $0x7880  }
0xf3: {  	[tilespmem:s4], [sflag:$0x1] =	stream.indirect_vreg.gather [hbm4b:s19+s2], $0x80, v2, vm0, $0xb8;
	[tilespmem:$0x10080] =	vst v63  }
0xf4: {  	s25 =	rddreg [dreg:$0x6]  }
0xf5: {  	[hbm4b:s25+s2] =	stream.linear.scatter [tilespmem:s1], [sflag:$0x3], $0x8000, $0x38;
	[tilespmem:$0x10080] =	vst v63  }
0xf6: {  	_ =	swait.ge [sflag:s21], $0x8000  }
0xf7: {  	[sflag:s21] =	ssyncset.done $0x0  }
0xf8: {  	[sflag:s21] =	ssyncadd.s32 $0xFFFF8000  }
0xf9: {  	_ =	swait.ge [sflag:s28], $0x8000  }
0xfa: {  	[sflag:s28] =	ssyncset.done $0x0  }
0xfb: {  	[sflag:s28] =	ssyncadd.s32 $0xFFFF8000  }
0xfc: {  	v2 =	vld.msk [tilespmem:$0x28], $0xff;
	_ =	sdelay $0x4  }
0xfd: {  	v3 =	vshll.u32 v2, $0x5  }
0xfe: {  	v2 =	vand.u32 $0x7, v2;
	v3 =	vand.u32 $0xFFFFFF00, v3  }
0xff: {  	v2 =	vor.u32 v2, v3  }
0x100: {  	v2 =	vperm.xlane v2, v0;
	_ =	sdelay $0x1  }
0x101: {  	v2 =	vadd.s32 v1, v2;
	_ =	sdelay $0x4  }
0x102: {  	[tilespmem:s1], [sflag:$0x2] =	stream.indirect_vreg.gather [hbm4b:s3+s2], $0x80, v2, vm0, $0xb8;
	[tilespmem:$0x10080] =	vst v63  }
0x103: {  	s25 =	simm.s32 $0x8880  }
0x104: {  	[tilespmem:s25], [sflag:$0x2] =	stream.indirect_vreg.gather [hbm4b:s5+s2], $0x80, v2, vm0, $0xb8;
	[tilespmem:$0x10080] =	vst v63  }
0x105: {  	_ = 	snop  }
0x106: {  	[tilespmem:s29], [sflag:$0x2] =	stream.indirect_vreg.gather [hbm4b:s6+s2], $0x80, v2, vm0, $0xb8;
	[tilespmem:$0x10080] =	vst v63  }
0x107: {  	s29 =	simm.s32 $0x9880  }
0x108: {  	[tilespmem:s29], [sflag:$0x2] =	stream.indirect_vreg.gather [hbm4b:s7+s2], $0x80, v2, vm0, $0xb8;
	[tilespmem:$0x10080] =	vst v63  }
0x109: {  	_ = 	snop  }
0x10a: {  	[tilespmem:s20], [sflag:$0x2] =	stream.indirect_vreg.gather [hbm4b:s8+s2], $0x80, v2, vm0, $0xb8;
	[tilespmem:$0x10080] =	vst v63  }
0x10b: {  	_ = 	snop  }
0x10c: {  	[tilespmem:s26], [sflag:$0x2] =	stream.indirect_vreg.gather [hbm4b:s9+s2], $0x80, v2, vm0, $0xb8;
	[tilespmem:$0x10080] =	vst v63  }
0x10d: {  	_ = 	snop  }
0x10e: {  	[tilespmem:s30], [sflag:$0x2] =	stream.indirect_vreg.gather [hbm4b:s10+s2], $0x80, v2, vm0, $0xb8;
	[tilespmem:$0x10080] =	vst v63  }
0x10f: {  	_ = 	snop  }
0x110: {  	[tilespmem:s31], [sflag:$0x2] =	stream.indirect_vreg.gather [hbm4b:s11+s2], $0x80, v2, vm0, $0xb8;
	[tilespmem:$0x10080] =	vst v63  }
0x111: {  	_ = 	snop  }
0x112: {  	[tilespmem:s23], [sflag:$0x2] =	stream.indirect_vreg.gather [hbm4b:s12+s2], $0x80, v2, vm0, $0xb8;
	[tilespmem:$0x10080] =	vst v63  }
0x113: {  	_ = 	snop  }
0x114: {  	[tilespmem:s22], [sflag:$0x2] =	stream.indirect_vreg.gather [hbm4b:s13+s2], $0x80, v2, vm0, $0xb8;
	[tilespmem:$0x10080] =	vst v63  }
0x115: {  	s22 =	simm.s32 $0xD080  }
0x116: {  	[tilespmem:s22], [sflag:$0x2] =	stream.indirect_vreg.gather [hbm4b:s14+s2], $0x80, v2, vm0, $0xb8;
	[tilespmem:$0x10080] =	vst v63  }
0x117: {  	s23 =	simm.s32 $0xD880  }
0x118: {  	[tilespmem:s23], [sflag:$0x2] =	stream.indirect_vreg.gather [hbm4b:s15+s2], $0x80, v2, vm0, $0xb8;
	[tilespmem:$0x10080] =	vst v63  }
0x119: {  	s25 =	simm.s32 $0xE080  }
0x11a: {  	[tilespmem:s25], [sflag:$0x2] =	stream.indirect_vreg.gather [hbm4b:s16+s2], $0x80, v2, vm0, $0xb8;
	[tilespmem:$0x10080] =	vst v63  }
0x11b: {  	s26 =	simm.s32 $0xE880  }
0x11c: {  	[tilespmem:s26], [sflag:$0x2] =	stream.indirect_vreg.gather [hbm4b:s17+s2], $0x80, v2, vm0, $0xb8;
	[tilespmem:$0x10080] =	vst v63  }
0x11d: {  	s29 =	simm.s32 $0xF080  }
0x11e: {  	[tilespmem:s29], [sflag:$0x2] =	stream.indirect_vreg.gather [hbm4b:s18+s2], $0x80, v2, vm0, $0xb8;
	[tilespmem:$0x10080] =	vst v63  }
0x11f: {  	s4 =	simm.s32 $0xF880  }
0x120: {  	[tilespmem:s4], [sflag:$0x2] =	stream.indirect_vreg.gather [hbm4b:s19+s2], $0x80, v2, vm0, $0xb8;
	[tilespmem:$0x10080] =	vst v63  }
0x121: {  	s30 =	rddreg [dreg:$0x7];
	s31 =	simm.s32 $0x80  }
0x122: {  	[hbm4b:s30+s2] =	stream.linear.scatter [tilespmem:s31], [sflag:$0x3], $0x8000, $0x38;
	[tilespmem:$0x10080] =	vst v63  }
0x123: {  	_ =	swait.ge [sflag:s21], $0x8000  }
0x124: {  	[sflag:s21] =	ssyncset.done $0x0  }
0x125: {  	[sflag:s21] =	ssyncadd.s32 $0xFFFF8000  }
0x126: {  	_ =	swait.ge [sflag:s24], $0x8000  }
0x127: {  	[sflag:s24] =	ssyncset.done $0x0  }
0x128: {  	[sflag:s24] =	ssyncadd.s32 $0xFFFF8000  }
0x129: {  	v2 =	vld.msk [tilespmem:$0x30], $0xff;
	_ =	sdelay $0x4  }
0x12a: {  	v3 =	vshll.u32 v2, $0x5  }
0x12b: {  	v2 =	vand.u32 $0x7, v2;
	v3 =	vand.u32 $0xFFFFFF00, v3  }
0x12c: {  	v2 =	vor.u32 v2, v3  }
0x12d: {  	v2 =	vperm.xlane v2, v0;
	_ =	sdelay $0x1  }
0x12e: {  	v2 =	vadd.s32 v1, v2;
	_ =	sdelay $0x4  }
0x12f: {  	[tilespmem:s31], [sflag:$0x1] =	stream.indirect_vreg.gather [hbm4b:s3+s2], $0x80, v2, vm0, $0xb8;
	[tilespmem:$0x10080] =	vst v63  }
0x130: {  	_ = 	snop  }
0x131: {  	[tilespmem:s0], [sflag:$0x1] =	stream.indirect_vreg.gather [hbm4b:s5+s2], $0x80, v2, vm0, $0xb8;
	[tilespmem:$0x10080] =	vst v63  }
0x132: {  	s22 =	simm.s32 $0x1080  }
0x133: {  	[tilespmem:s22], [sflag:$0x1] =	stream.indirect_vreg.gather [hbm4b:s6+s2], $0x80, v2, vm0, $0xb8;
	[tilespmem:$0x10080] =	vst v63  }
0x134: {  	s23 =	simm.s32 $0x1880  }
0x135: {  	[tilespmem:s23], [sflag:$0x1] =	stream.indirect_vreg.gather [hbm4b:s7+s2], $0x80, v2, vm0, $0xb8;
	[tilespmem:$0x10080] =	vst v63  }
0x136: {  	s25 =	simm.s32 $0x2080  }
0x137: {  	[tilespmem:s25], [sflag:$0x1] =	stream.indirect_vreg.gather [hbm4b:s8+s2], $0x80, v2, vm0, $0xb8;
	[tilespmem:$0x10080] =	vst v63  }
0x138: {  	s26 =	simm.s32 $0x2880  }
0x139: {  	[tilespmem:s26], [sflag:$0x1] =	stream.indirect_vreg.gather [hbm4b:s9+s2], $0x80, v2, vm0, $0xb8;
	[tilespmem:$0x10080] =	vst v63  }
0x13a: {  	s29 =	simm.s32 $0x3080  }
0x13b: {  	[tilespmem:s29], [sflag:$0x1] =	stream.indirect_vreg.gather [hbm4b:s10+s2], $0x80, v2, vm0, $0xb8;
	[tilespmem:$0x10080] =	vst v63  }
0x13c: {  	s30 =	simm.s32 $0x3880  }
0x13d: {  	[tilespmem:s30], [sflag:$0x1] =	stream.indirect_vreg.gather [hbm4b:s11+s2], $0x80, v2, vm0, $0xb8;
	[tilespmem:$0x10080] =	vst v63  }
0x13e: {  	s0 =	simm.s32 $0x4080  }
0x13f: {  	[tilespmem:s0], [sflag:$0x1] =	stream.indirect_vreg.gather [hbm4b:s12+s2], $0x80, v2, vm0, $0xb8;
	[tilespmem:$0x10080] =	vst v63  }
0x140: {  	s31 =	simm.s32 $0x4880  }
0x141: {  	[tilespmem:s31], [sflag:$0x1] =	stream.indirect_vreg.gather [hbm4b:s13+s2], $0x80, v2, vm0, $0xb8;
	[tilespmem:$0x10080] =	vst v63  }
0x142: {  	s22 =	simm.s32 $0x5080  }
0x143: {  	[tilespmem:s22], [sflag:$0x1] =	stream.indirect_vreg.gather [hbm4b:s14+s2], $0x80, v2, vm0, $0xb8;
	[tilespmem:$0x10080] =	vst v63  }
0x144: {  	s23 =	simm.s32 $0x5880  }
0x145: {  	[tilespmem:s23], [sflag:$0x1] =	stream.indirect_vreg.gather [hbm4b:s15+s2], $0x80, v2, vm0, $0xb8;
	[tilespmem:$0x10080] =	vst v63  }
0x146: {  	s25 =	simm.s32 $0x6080  }
0x147: {  	[tilespmem:s25], [sflag:$0x1] =	stream.indirect_vreg.gather [hbm4b:s16+s2], $0x80, v2, vm0, $0xb8;
	[tilespmem:$0x10080] =	vst v63  }
0x148: {  	s26 =	simm.s32 $0x6880  }
0x149: {  	[tilespmem:s26], [sflag:$0x1] =	stream.indirect_vreg.gather [hbm4b:s17+s2], $0x80, v2, vm0, $0xb8;
	[tilespmem:$0x10080] =	vst v63  }
0x14a: {  	s29 =	simm.s32 $0x7080  }
0x14b: {  	[tilespmem:s29], [sflag:$0x1] =	stream.indirect_vreg.gather [hbm4b:s18+s2], $0x80, v2, vm0, $0xb8;
	[tilespmem:$0x10080] =	vst v63  }
0x14c: {  	s31 =	simm.s32 $0x7880  }
0x14d: {  	[tilespmem:s31], [sflag:$0x1] =	stream.indirect_vreg.gather [hbm4b:s19+s2], $0x80, v2, vm0, $0xb8;
	[tilespmem:$0x10080] =	vst v63  }
0x14e: {  	s30 =	rddreg [dreg:$0x8]  }
0x14f: {  	[hbm4b:s30+s2] =	stream.linear.scatter [tilespmem:s1], [sflag:$0x3], $0x8000, $0x38;
	[tilespmem:$0x10080] =	vst v63  }
0x150: {  	_ =	swait.ge [sflag:s21], $0x8000  }
0x151: {  	[sflag:s21] =	ssyncset.done $0x0  }
0x152: {  	[sflag:s21] =	ssyncadd.s32 $0xFFFF8000  }
0x153: {  	_ =	swait.ge [sflag:s28], $0x8000  }
0x154: {  	[sflag:s28] =	ssyncset.done $0x0  }
0x155: {  	[sflag:s28] =	ssyncadd.s32 $0xFFFF8000  }
0x156: {  	v2 =	vld.msk [tilespmem:$0x38], $0xff;
	_ =	sdelay $0x4  }
0x157: {  	v3 =	vshll.u32 v2, $0x5  }
0x158: {  	v2 =	vand.u32 $0x7, v2;
	v3 =	vand.u32 $0xFFFFFF00, v3  }
0x159: {  	v2 =	vor.u32 v2, v3  }
0x15a: {  	v2 =	vperm.xlane v2, v0;
	_ =	sdelay $0x1  }
0x15b: {  	v2 =	vadd.s32 v1, v2;
	_ =	sdelay $0x4  }
0x15c: {  	[tilespmem:s1], [sflag:$0x2] =	stream.indirect_vreg.gather [hbm4b:s3+s2], $0x80, v2, vm0, $0xb8;
	[tilespmem:$0x10080] =	vst v63  }
0x15d: {  	s22 =	simm.s32 $0x8880  }
0x15e: {  	[tilespmem:s22], [sflag:$0x2] =	stream.indirect_vreg.gather [hbm4b:s5+s2], $0x80, v2, vm0, $0xb8;
	[tilespmem:$0x10080] =	vst v63  }
0x15f: {  	s23 =	simm.s32 $0x9080  }
0x160: {  	[tilespmem:s23], [sflag:$0x2] =	stream.indirect_vreg.gather [hbm4b:s6+s2], $0x80, v2, vm0, $0xb8;
	[tilespmem:$0x10080] =	vst v63  }
0x161: {  	s22 =	simm.s32 $0x9880  }
0x162: {  	[tilespmem:s22], [sflag:$0x2] =	stream.indirect_vreg.gather [hbm4b:s7+s2], $0x80, v2, vm0, $0xb8;
	[tilespmem:$0x10080] =	vst v63  }
0x163: {  	s23 =	simm.s32 $0xA080  }
0x164: {  	[tilespmem:s23], [sflag:$0x2] =	stream.indirect_vreg.gather [hbm4b:s8+s2], $0x80, v2, vm0, $0xb8;
	[tilespmem:$0x10080] =	vst v63  }
0x165: {  	s26 =	simm.s32 $0xA880  }
0x166: {  	[tilespmem:s26], [sflag:$0x2] =	stream.indirect_vreg.gather [hbm4b:s9+s2], $0x80, v2, vm0, $0xb8;
	[tilespmem:$0x10080] =	vst v63  }
0x167: {  	s29 =	simm.s32 $0xB080  }
0x168: {  	[tilespmem:s29], [sflag:$0x2] =	stream.indirect_vreg.gather [hbm4b:s10+s2], $0x80, v2, vm0, $0xb8;
	[tilespmem:$0x10080] =	vst v63  }
0x169: {  	s30 =	simm.s32 $0xB880  }
0x16a: {  	[tilespmem:s30], [sflag:$0x2] =	stream.indirect_vreg.gather [hbm4b:s11+s2], $0x80, v2, vm0, $0xb8;
	[tilespmem:$0x10080] =	vst v63  }
0x16b: {  	s31 =	simm.s32 $0xC080  }
0x16c: {  	[tilespmem:s31], [sflag:$0x2] =	stream.indirect_vreg.gather [hbm4b:s12+s2], $0x80, v2, vm0, $0xb8;
	[tilespmem:$0x10080] =	vst v63  }
0x16d: {  	s25 =	simm.s32 $0xC880  }
0x16e: {  	[tilespmem:s25], [sflag:$0x2] =	stream.indirect_vreg.gather [hbm4b:s13+s2], $0x80, v2, vm0, $0xb8;
	[tilespmem:$0x10080] =	vst v63  }
0x16f: {  	s25 =	simm.s32 $0xD080  }
0x170: {  	[tilespmem:s25], [sflag:$0x2] =	stream.indirect_vreg.gather [hbm4b:s14+s2], $0x80, v2, vm0, $0xb8;
	[tilespmem:$0x10080] =	vst v63  }
0x171: {  	s25 =	simm.s32 $0xD880  }
0x172: {  	[tilespmem:s25], [sflag:$0x2] =	stream.indirect_vreg.gather [hbm4b:s15+s2], $0x80, v2, vm0, $0xb8;
	[tilespmem:$0x10080] =	vst v63  }
0x173: {  	s25 =	simm.s32 $0xE080  }
0x174: {  	[tilespmem:s25], [sflag:$0x2] =	stream.indirect_vreg.gather [hbm4b:s16+s2], $0x80, v2, vm0, $0xb8;
	[tilespmem:$0x10080] =	vst v63  }
0x175: {  	s25 =	simm.s32 $0xE880  }
0x176: {  	[tilespmem:s25], [sflag:$0x2] =	stream.indirect_vreg.gather [hbm4b:s17+s2], $0x80, v2, vm0, $0xb8;
	[tilespmem:$0x10080] =	vst v63  }
0x177: {  	s25 =	simm.s32 $0xF080  }
0x178: {  	[tilespmem:s25], [sflag:$0x2] =	stream.indirect_vreg.gather [hbm4b:s18+s2], $0x80, v2, vm0, $0xb8;
	[tilespmem:$0x10080] =	vst v63  }
0x179: {  	_ = 	snop  }
0x17a: {  	[tilespmem:s4], [sflag:$0x2] =	stream.indirect_vreg.gather [hbm4b:s19+s2], $0x80, v2, vm0, $0xb8;
	[tilespmem:$0x10080] =	vst v63  }
0x17b: {  	s20 =	simm.s32 $0x80;
	s25 =	rddreg [dreg:$0x9]  }
0x17c: {  	[hbm4b:s25+s2] =	stream.linear.scatter [tilespmem:s20], [sflag:$0x3], $0x8000, $0x38;
	[tilespmem:$0x10080] =	vst v63  }
0x17d: {  	_ =	swait.ge [sflag:s21], $0x8000  }
0x17e: {  	[sflag:s21] =	ssyncset.done $0x0  }
0x17f: {  	[sflag:s21] =	ssyncadd.s32 $0xFFFF8000  }
0x180: {  	_ =	swait.ge [sflag:s24], $0x8000  }
0x181: {  	[sflag:s24] =	ssyncset.done $0x0  }
0x182: {  	[sflag:s24] =	ssyncadd.s32 $0xFFFF8000  }
0x183: {  	v2 =	vld.msk [tilespmem:$0x40], $0xff;
	_ =	sdelay $0x4  }
0x184: {  	v3 =	vshll.u32 v2, $0x5  }
0x185: {  	v2 =	vand.u32 $0x7, v2;
	v3 =	vand.u32 $0xFFFFFF00, v3  }
0x186: {  	v2 =	vor.u32 v2, v3  }
0x187: {  	v2 =	vperm.xlane v2, v0;
	_ =	sdelay $0x1  }
0x188: {  	v2 =	vadd.s32 v1, v2;
	_ =	sdelay $0x4  }
0x189: {  	[tilespmem:s20], [sflag:$0x1] =	stream.indirect_vreg.gather [hbm4b:s3+s2], $0x80, v2, vm0, $0xb8;
	[tilespmem:$0x10080] =	vst v63  }
0x18a: {  	s20 =	simm.s32 $0x880  }
0x18b: {  	[tilespmem:s20], [sflag:$0x1] =	stream.indirect_vreg.gather [hbm4b:s5+s2], $0x80, v2, vm0, $0xb8;
	[tilespmem:$0x10080] =	vst v63  }
0x18c: {  	s25 =	simm.s32 $0x1080  }
0x18d: {  	[tilespmem:s25], [sflag:$0x1] =	stream.indirect_vreg.gather [hbm4b:s6+s2], $0x80, v2, vm0, $0xb8;
	[tilespmem:$0x10080] =	vst v63  }
0x18e: {  	s25 =	simm.s32 $0x1880  }
0x18f: {  	[tilespmem:s25], [sflag:$0x1] =	stream.indirect_vreg.gather [hbm4b:s7+s2], $0x80, v2, vm0, $0xb8;
	[tilespmem:$0x10080] =	vst v63  }
0x190: {  	s25 =	simm.s32 $0x2080  }
0x191: {  	[tilespmem:s25], [sflag:$0x1] =	stream.indirect_vreg.gather [hbm4b:s8+s2], $0x80, v2, vm0, $0xb8;
	[tilespmem:$0x10080] =	vst v63  }
0x192: {  	s25 =	simm.s32 $0x2880  }
0x193: {  	[tilespmem:s25], [sflag:$0x1] =	stream.indirect_vreg.gather [hbm4b:s9+s2], $0x80, v2, vm0, $0xb8;
	[tilespmem:$0x10080] =	vst v63  }
0x194: {  	s25 =	simm.s32 $0x3080  }
0x195: {  	[tilespmem:s25], [sflag:$0x1] =	stream.indirect_vreg.gather [hbm4b:s10+s2], $0x80, v2, vm0, $0xb8;
	[tilespmem:$0x10080] =	vst v63  }
0x196: {  	s25 =	simm.s32 $0x3880  }
0x197: {  	[tilespmem:s25], [sflag:$0x1] =	stream.indirect_vreg.gather [hbm4b:s11+s2], $0x80, v2, vm0, $0xb8;
	[tilespmem:$0x10080] =	vst v63  }
0x198: {  	_ = 	snop  }
0x199: {  	[tilespmem:s0], [sflag:$0x1] =	stream.indirect_vreg.gather [hbm4b:s12+s2], $0x80, v2, vm0, $0xb8;
	[tilespmem:$0x10080] =	vst v63  }
0x19a: {  	s25 =	simm.s32 $0x4880  }
0x19b: {  	[tilespmem:s25], [sflag:$0x1] =	stream.indirect_vreg.gather [hbm4b:s13+s2], $0x80, v2, vm0, $0xb8;
	[tilespmem:$0x10080] =	vst v63  }
0x19c: {  	s25 =	simm.s32 $0x5080  }
0x19d: {  	[tilespmem:s25], [sflag:$0x1] =	stream.indirect_vreg.gather [hbm4b:s14+s2], $0x80, v2, vm0, $0xb8;
	[tilespmem:$0x10080] =	vst v63  }
0x19e: {  	s25 =	simm.s32 $0x5880  }
0x19f: {  	[tilespmem:s25], [sflag:$0x1] =	stream.indirect_vreg.gather [hbm4b:s15+s2], $0x80, v2, vm0, $0xb8;
	[tilespmem:$0x10080] =	vst v63  }
0x1a0: {  	s25 =	simm.s32 $0x6080  }
0x1a1: {  	[tilespmem:s25], [sflag:$0x1] =	stream.indirect_vreg.gather [hbm4b:s16+s2], $0x80, v2, vm0, $0xb8;
	[tilespmem:$0x10080] =	vst v63  }
0x1a2: {  	s25 =	simm.s32 $0x6880  }
0x1a3: {  	[tilespmem:s25], [sflag:$0x1] =	stream.indirect_vreg.gather [hbm4b:s17+s2], $0x80, v2, vm0, $0xb8;
	[tilespmem:$0x10080] =	vst v63  }
0x1a4: {  	s25 =	simm.s32 $0x7080  }
0x1a5: {  	[tilespmem:s25], [sflag:$0x1] =	stream.indirect_vreg.gather [hbm4b:s18+s2], $0x80, v2, vm0, $0xb8;
	[tilespmem:$0x10080] =	vst v63  }
0x1a6: {  	s0 =	simm.s32 $0x7880  }
0x1a7: {  	[tilespmem:s0], [sflag:$0x1] =	stream.indirect_vreg.gather [hbm4b:s19+s2], $0x80, v2, vm0, $0xb8;
	[tilespmem:$0x10080] =	vst v63  }
0x1a8: {  	s25 =	rddreg [dreg:$0xa]  }
0x1a9: {  	[hbm4b:s25+s2] =	stream.linear.scatter [tilespmem:s1], [sflag:$0x3], $0x8000, $0x38;
	[tilespmem:$0x10080] =	vst v63  }
0x1aa: {  	_ =	swait.ge [sflag:s21], $0x8000  }
0x1ab: {  	[sflag:s21] =	ssyncset.done $0x0  }
0x1ac: {  	[sflag:s21] =	ssyncadd.s32 $0xFFFF8000  }
0x1ad: {  	_ =	swait.ge [sflag:s28], $0x8000  }
0x1ae: {  	[sflag:s28] =	ssyncset.done $0x0  }
0x1af: {  	[sflag:s28] =	ssyncadd.s32 $0xFFFF8000  }
0x1b0: {  	v2 =	vld.msk [tilespmem:$0x48], $0xff;
	_ =	sdelay $0x4  }
0x1b1: {  	v3 =	vshll.u32 v2, $0x5  }
0x1b2: {  	v2 =	vand.u32 $0x7, v2;
	v3 =	vand.u32 $0xFFFFFF00, v3  }
0x1b3: {  	v2 =	vor.u32 v2, v3  }
0x1b4: {  	v2 =	vperm.xlane v2, v0;
	_ =	sdelay $0x1  }
0x1b5: {  	v2 =	vadd.s32 v1, v2;
	_ =	sdelay $0x4  }
0x1b6: {  	[tilespmem:s1], [sflag:$0x2] =	stream.indirect_vreg.gather [hbm4b:s3+s2], $0x80, v2, vm0, $0xb8;
	[tilespmem:$0x10080] =	vst v63  }
0x1b7: {  	s25 =	simm.s32 $0x8880  }
0x1b8: {  	[tilespmem:s25], [sflag:$0x2] =	stream.indirect_vreg.gather [hbm4b:s5+s2], $0x80, v2, vm0, $0xb8;
	[tilespmem:$0x10080] =	vst v63  }
0x1b9: {  	s25 =	simm.s32 $0x9080  }
0x1ba: {  	[tilespmem:s25], [sflag:$0x2] =	stream.indirect_vreg.gather [hbm4b:s6+s2], $0x80, v2, vm0, $0xb8;
	[tilespmem:$0x10080] =	vst v63  }
0x1bb: {  	_ = 	snop  }
0x1bc: {  	[tilespmem:s22], [sflag:$0x2] =	stream.indirect_vreg.gather [hbm4b:s7+s2], $0x80, v2, vm0, $0xb8;
	[tilespmem:$0x10080] =	vst v63  }
0x1bd: {  	_ = 	snop  }
0x1be: {  	[tilespmem:s23], [sflag:$0x2] =	stream.indirect_vreg.gather [hbm4b:s8+s2], $0x80, v2, vm0, $0xb8;
	[tilespmem:$0x10080] =	vst v63  }
0x1bf: {  	_ = 	snop  }
0x1c0: {  	[tilespmem:s26], [sflag:$0x2] =	stream.indirect_vreg.gather [hbm4b:s9+s2], $0x80, v2, vm0, $0xb8;
	[tilespmem:$0x10080] =	vst v63  }
0x1c1: {  	_ = 	snop  }
0x1c2: {  	[tilespmem:s29], [sflag:$0x2] =	stream.indirect_vreg.gather [hbm4b:s10+s2], $0x80, v2, vm0, $0xb8;
	[tilespmem:$0x10080] =	vst v63  }
0x1c3: {  	_ = 	snop  }
0x1c4: {  	[tilespmem:s30], [sflag:$0x2] =	stream.indirect_vreg.gather [hbm4b:s11+s2], $0x80, v2, vm0, $0xb8;
	[tilespmem:$0x10080] =	vst v63  }
0x1c5: {  	_ = 	snop  }
0x1c6: {  	[tilespmem:s31], [sflag:$0x2] =	stream.indirect_vreg.gather [hbm4b:s12+s2], $0x80, v2, vm0, $0xb8;
	[tilespmem:$0x10080] =	vst v63  }
0x1c7: {  	s23 =	simm.s32 $0xC880  }
0x1c8: {  	[tilespmem:s23], [sflag:$0x2] =	stream.indirect_vreg.gather [hbm4b:s13+s2], $0x80, v2, vm0, $0xb8;
	[tilespmem:$0x10080] =	vst v63  }
0x1c9: {  	s25 =	simm.s32 $0xD080  }
0x1ca: {  	[tilespmem:s25], [sflag:$0x2] =	stream.indirect_vreg.gather [hbm4b:s14+s2], $0x80, v2, vm0, $0xb8;
	[tilespmem:$0x10080] =	vst v63  }
0x1cb: {  	s26 =	simm.s32 $0xD880  }
0x1cc: {  	[tilespmem:s26], [sflag:$0x2] =	stream.indirect_vreg.gather [hbm4b:s15+s2], $0x80, v2, vm0, $0xb8;
	[tilespmem:$0x10080] =	vst v63  }
0x1cd: {  	s30 =	simm.s32 $0xE080  }
0x1ce: {  	[tilespmem:s30], [sflag:$0x2] =	stream.indirect_vreg.gather [hbm4b:s16+s2], $0x80, v2, vm0, $0xb8;
	[tilespmem:$0x10080] =	vst v63  }
0x1cf: {  	s31 =	simm.s32 $0xE880  }
0x1d0: {  	[tilespmem:s31], [sflag:$0x2] =	stream.indirect_vreg.gather [hbm4b:s17+s2], $0x80, v2, vm0, $0xb8;
	[tilespmem:$0x10080] =	vst v63  }
0x1d1: {  	s22 =	simm.s32 $0xF080  }
0x1d2: {  	[tilespmem:s22], [sflag:$0x2] =	stream.indirect_vreg.gather [hbm4b:s18+s2], $0x80, v2, vm0, $0xb8;
	[tilespmem:$0x10080] =	vst v63  }
0x1d3: {  	s0 =	simm.s32 $0xF880  }
0x1d4: {  	[tilespmem:s0], [sflag:$0x2] =	stream.indirect_vreg.gather [hbm4b:s19+s2], $0x80, v2, vm0, $0xb8;
	[tilespmem:$0x10080] =	vst v63  }
0x1d5: {  	s4 =	simm.s32 $0x80;
	s23 =	rddreg [dreg:$0xb]  }
0x1d6: {  	[hbm4b:s23+s2] =	stream.linear.scatter [tilespmem:s4], [sflag:$0x3], $0x8000, $0x38;
	[tilespmem:$0x10080] =	vst v63  }
0x1d7: {  	_ =	swait.ge [sflag:s21], $0x8000  }
0x1d8: {  	[sflag:s21] =	ssyncset.done $0x0  }
0x1d9: {  	[sflag:s21] =	ssyncadd.s32 $0xFFFF8000  }
0x1da: {  	_ =	swait.ge [sflag:s24], $0x8000  }
0x1db: {  	[sflag:s24] =	ssyncset.done $0x0  }
0x1dc: {  	[sflag:s24] =	ssyncadd.s32 $0xFFFF8000  }
0x1dd: {  	v2 =	vld.msk [tilespmem:$0x50], $0xff;
	_ =	sdelay $0x4  }
0x1de: {  	v3 =	vshll.u32 v2, $0x5  }
0x1df: {  	v2 =	vand.u32 $0x7, v2;
	v3 =	vand.u32 $0xFFFFFF00, v3  }
0x1e0: {  	v2 =	vor.u32 v2, v3  }
0x1e1: {  	v2 =	vperm.xlane v2, v0;
	_ =	sdelay $0x1  }
0x1e2: {  	v2 =	vadd.s32 v1, v2;
	_ =	sdelay $0x4  }
0x1e3: {  	[tilespmem:s4], [sflag:$0x1] =	stream.indirect_vreg.gather [hbm4b:s3+s2], $0x80, v2, vm0, $0xb8;
	[tilespmem:$0x10080] =	vst v63  }
0x1e4: {  	_ = 	snop  }
0x1e5: {  	[tilespmem:s20], [sflag:$0x1] =	stream.indirect_vreg.gather [hbm4b:s5+s2], $0x80, v2, vm0, $0xb8;
	[tilespmem:$0x10080] =	vst v63  }
0x1e6: {  	s26 =	simm.s32 $0x1080  }
0x1e7: {  	[tilespmem:s26], [sflag:$0x1] =	stream.indirect_vreg.gather [hbm4b:s6+s2], $0x80, v2, vm0, $0xb8;
	[tilespmem:$0x10080] =	vst v63  }
0x1e8: {  	s30 =	simm.s32 $0x1880  }
0x1e9: {  	[tilespmem:s30], [sflag:$0x1] =	stream.indirect_vreg.gather [hbm4b:s7+s2], $0x80, v2, vm0, $0xb8;
	[tilespmem:$0x10080] =	vst v63  }
0x1ea: {  	s31 =	simm.s32 $0x2080  }
0x1eb: {  	[tilespmem:s31], [sflag:$0x1] =	stream.indirect_vreg.gather [hbm4b:s8+s2], $0x80, v2, vm0, $0xb8;
	[tilespmem:$0x10080] =	vst v63  }
0x1ec: {  	s20 =	simm.s32 $0x2880  }
0x1ed: {  	[tilespmem:s20], [sflag:$0x1] =	stream.indirect_vreg.gather [hbm4b:s9+s2], $0x80, v2, vm0, $0xb8;
	[tilespmem:$0x10080] =	vst v63  }
0x1ee: {  	s25 =	simm.s32 $0x3080  }
0x1ef: {  	[tilespmem:s25], [sflag:$0x1] =	stream.indirect_vreg.gather [hbm4b:s10+s2], $0x80, v2, vm0, $0xb8;
	[tilespmem:$0x10080] =	vst v63  }
0x1f0: {  	s26 =	simm.s32 $0x3880  }
0x1f1: {  	[tilespmem:s26], [sflag:$0x1] =	stream.indirect_vreg.gather [hbm4b:s11+s2], $0x80, v2, vm0, $0xb8;
	[tilespmem:$0x10080] =	vst v63  }
0x1f2: {  	s30 =	simm.s32 $0x4080  }
0x1f3: {  	[tilespmem:s30], [sflag:$0x1] =	stream.indirect_vreg.gather [hbm4b:s12+s2], $0x80, v2, vm0, $0xb8;
	[tilespmem:$0x10080] =	vst v63  }
0x1f4: {  	s31 =	simm.s32 $0x4880  }
0x1f5: {  	[tilespmem:s31], [sflag:$0x1] =	stream.indirect_vreg.gather [hbm4b:s13+s2], $0x80, v2, vm0, $0xb8;
	[tilespmem:$0x10080] =	vst v63  }
0x1f6: {  	s20 =	simm.s32 $0x5080  }
0x1f7: {  	[tilespmem:s20], [sflag:$0x1] =	stream.indirect_vreg.gather [hbm4b:s14+s2], $0x80, v2, vm0, $0xb8;
	[tilespmem:$0x10080] =	vst v63  }
0x1f8: {  	s25 =	simm.s32 $0x5880  }
0x1f9: {  	[tilespmem:s25], [sflag:$0x1] =	stream.indirect_vreg.gather [hbm4b:s15+s2], $0x80, v2, vm0, $0xb8;
	[tilespmem:$0x10080] =	vst v63  }
0x1fa: {  	s26 =	simm.s32 $0x6080  }
0x1fb: {  	[tilespmem:s26], [sflag:$0x1] =	stream.indirect_vreg.gather [hbm4b:s16+s2], $0x80, v2, vm0, $0xb8;
	[tilespmem:$0x10080] =	vst v63  }
0x1fc: {  	s30 =	simm.s32 $0x6880  }
0x1fd: {  	[tilespmem:s30], [sflag:$0x1] =	stream.indirect_vreg.gather [hbm4b:s17+s2], $0x80, v2, vm0, $0xb8;
	[tilespmem:$0x10080] =	vst v63  }
0x1fe: {  	s31 =	simm.s32 $0x7080  }
0x1ff: {  	[tilespmem:s31], [sflag:$0x1] =	stream.indirect_vreg.gather [hbm4b:s18+s2], $0x80, v2, vm0, $0xb8;
	[tilespmem:$0x10080] =	vst v63  }
0x200: {  	s26 =	simm.s32 $0x7880  }
0x201: {  	[tilespmem:s26], [sflag:$0x1] =	stream.indirect_vreg.gather [hbm4b:s19+s2], $0x80, v2, vm0, $0xb8;
	[tilespmem:$0x10080] =	vst v63  }
0x202: {  	s20 =	rddreg [dreg:$0xc]  }
0x203: {  	[hbm4b:s20+s2] =	stream.linear.scatter [tilespmem:s1], [sflag:$0x3], $0x8000, $0x38;
	[tilespmem:$0x10080] =	vst v63  }
0x204: {  	_ =	swait.ge [sflag:s21], $0x8000  }
0x205: {  	[sflag:s21] =	ssyncset.done $0x0  }
0x206: {  	[sflag:s21] =	ssyncadd.s32 $0xFFFF8000  }
0x207: {  	_ =	swait.ge [sflag:s28], $0x8000  }
0x208: {  	[sflag:s28] =	ssyncset.done $0x0  }
0x209: {  	[sflag:s28] =	ssyncadd.s32 $0xFFFF8000  }
0x20a: {  	v2 =	vld.msk [tilespmem:$0x58], $0xff;
	_ =	sdelay $0x4  }
0x20b: {  	v3 =	vshll.u32 v2, $0x5  }
0x20c: {  	v2 =	vand.u32 $0x7, v2;
	v3 =	vand.u32 $0xFFFFFF00, v3  }
0x20d: {  	v2 =	vor.u32 v2, v3  }
0x20e: {  	v2 =	vperm.xlane v2, v0;
	_ =	sdelay $0x1  }
0x20f: {  	v2 =	vadd.s32 v1, v2;
	_ =	sdelay $0x4  }
0x210: {  	[tilespmem:s1], [sflag:$0x2] =	stream.indirect_vreg.gather [hbm4b:s3+s2], $0x80, v2, vm0, $0xb8;
	[tilespmem:$0x10080] =	vst v63  }
0x211: {  	s4 =	simm.s32 $0x8880  }
0x212: {  	[tilespmem:s4], [sflag:$0x2] =	stream.indirect_vreg.gather [hbm4b:s5+s2], $0x80, v2, vm0, $0xb8;
	[tilespmem:$0x10080] =	vst v63  }
0x213: {  	s30 =	simm.s32 $0x9080  }
0x214: {  	[tilespmem:s30], [sflag:$0x2] =	stream.indirect_vreg.gather [hbm4b:s6+s2], $0x80, v2, vm0, $0xb8;
	[tilespmem:$0x10080] =	vst v63  }
0x215: {  	s31 =	simm.s32 $0x9880  }
0x216: {  	[tilespmem:s31], [sflag:$0x2] =	stream.indirect_vreg.gather [hbm4b:s7+s2], $0x80, v2, vm0, $0xb8;
	[tilespmem:$0x10080] =	vst v63  }
0x217: {  	s25 =	simm.s32 $0xA080  }
0x218: {  	[tilespmem:s25], [sflag:$0x2] =	stream.indirect_vreg.gather [hbm4b:s8+s2], $0x80, v2, vm0, $0xb8;
	[tilespmem:$0x10080] =	vst v63  }
0x219: {  	s25 =	simm.s32 $0xA880  }
0x21a: {  	[tilespmem:s25], [sflag:$0x2] =	stream.indirect_vreg.gather [hbm4b:s9+s2], $0x80, v2, vm0, $0xb8;
	[tilespmem:$0x10080] =	vst v63  }
0x21b: {  	s29 =	simm.s32 $0xB080  }
0x21c: {  	[tilespmem:s29], [sflag:$0x2] =	stream.indirect_vreg.gather [hbm4b:s10+s2], $0x80, v2, vm0, $0xb8;
	[tilespmem:$0x10080] =	vst v63  }
0x21d: {  	s25 =	simm.s32 $0xB880  }
0x21e: {  	[tilespmem:s25], [sflag:$0x2] =	stream.indirect_vreg.gather [hbm4b:s11+s2], $0x80, v2, vm0, $0xb8;
	[tilespmem:$0x10080] =	vst v63  }
0x21f: {  	s29 =	simm.s32 $0xC080  }
0x220: {  	[tilespmem:s29], [sflag:$0x2] =	stream.indirect_vreg.gather [hbm4b:s12+s2], $0x80, v2, vm0, $0xb8;
	[tilespmem:$0x10080] =	vst v63  }
0x221: {  	s25 =	simm.s32 $0xC880  }
0x222: {  	[tilespmem:s25], [sflag:$0x2] =	stream.indirect_vreg.gather [hbm4b:s13+s2], $0x80, v2, vm0, $0xb8;
	[tilespmem:$0x10080] =	vst v63  }
0x223: {  	s29 =	simm.s32 $0xD080  }
0x224: {  	[tilespmem:s29], [sflag:$0x2] =	stream.indirect_vreg.gather [hbm4b:s14+s2], $0x80, v2, vm0, $0xb8;
	[tilespmem:$0x10080] =	vst v63  }
0x225: {  	s25 =	simm.s32 $0xD880  }
0x226: {  	[tilespmem:s25], [sflag:$0x2] =	stream.indirect_vreg.gather [hbm4b:s15+s2], $0x80, v2, vm0, $0xb8;
	[tilespmem:$0x10080] =	vst v63  }
0x227: {  	s29 =	simm.s32 $0xE080  }
0x228: {  	[tilespmem:s29], [sflag:$0x2] =	stream.indirect_vreg.gather [hbm4b:s16+s2], $0x80, v2, vm0, $0xb8;
	[tilespmem:$0x10080] =	vst v63  }
0x229: {  	s25 =	simm.s32 $0xE880  }
0x22a: {  	[tilespmem:s25], [sflag:$0x2] =	stream.indirect_vreg.gather [hbm4b:s17+s2], $0x80, v2, vm0, $0xb8;
	[tilespmem:$0x10080] =	vst v63  }
0x22b: {  	s29 =	simm.s32 $0xF080  }
0x22c: {  	[tilespmem:s29], [sflag:$0x2] =	stream.indirect_vreg.gather [hbm4b:s18+s2], $0x80, v2, vm0, $0xb8;
	[tilespmem:$0x10080] =	vst v63  }
0x22d: {  	_ = 	snop  }
0x22e: {  	[tilespmem:s0], [sflag:$0x2] =	stream.indirect_vreg.gather [hbm4b:s19+s2], $0x80, v2, vm0, $0xb8;
	[tilespmem:$0x10080] =	vst v63  }
0x22f: {  	s20 =	simm.s32 $0x80;
	s25 =	rddreg [dreg:$0xd]  }
0x230: {  	[hbm4b:s25+s2] =	stream.linear.scatter [tilespmem:s20], [sflag:$0x3], $0x8000, $0x38;
	[tilespmem:$0x10080] =	vst v63  }
0x231: {  	_ =	swait.ge [sflag:s21], $0x8000  }
0x232: {  	[sflag:s21] =	ssyncset.done $0x0  }
0x233: {  	[sflag:s21] =	ssyncadd.s32 $0xFFFF8000  }
0x234: {  	_ =	swait.ge [sflag:s24], $0x8000  }
0x235: {  	[sflag:s24] =	ssyncset.done $0x0  }
0x236: {  	[sflag:s24] =	ssyncadd.s32 $0xFFFF8000  }
0x237: {  	v2 =	vld.msk [tilespmem:$0x60], $0xff;
	_ =	sdelay $0x4  }
0x238: {  	v3 =	vshll.u32 v2, $0x5  }
0x239: {  	v2 =	vand.u32 $0x7, v2;
	v3 =	vand.u32 $0xFFFFFF00, v3  }
0x23a: {  	v2 =	vor.u32 v2, v3  }
0x23b: {  	v2 =	vperm.xlane v2, v0;
	_ =	sdelay $0x1  }
0x23c: {  	v2 =	vadd.s32 v1, v2;
	_ =	sdelay $0x4  }
0x23d: {  	[tilespmem:s20], [sflag:$0x1] =	stream.indirect_vreg.gather [hbm4b:s3+s2], $0x80, v2, vm0, $0xb8;
	[tilespmem:$0x10080] =	vst v63  }
0x23e: {  	s22 =	simm.s32 $0x880  }
0x23f: {  	[tilespmem:s22], [sflag:$0x1] =	stream.indirect_vreg.gather [hbm4b:s5+s2], $0x80, v2, vm0, $0xb8;
	[tilespmem:$0x10080] =	vst v63  }
0x240: {  	s23 =	simm.s32 $0x1080  }
0x241: {  	[tilespmem:s23], [sflag:$0x1] =	stream.indirect_vreg.gather [hbm4b:s6+s2], $0x80, v2, vm0, $0xb8;
	[tilespmem:$0x10080] =	vst v63  }
0x242: {  	s23 =	simm.s32 $0x1880  }
0x243: {  	[tilespmem:s23], [sflag:$0x1] =	stream.indirect_vreg.gather [hbm4b:s7+s2], $0x80, v2, vm0, $0xb8;
	[tilespmem:$0x10080] =	vst v63  }
0x244: {  	s25 =	simm.s32 $0x2080  }
0x245: {  	[tilespmem:s25], [sflag:$0x1] =	stream.indirect_vreg.gather [hbm4b:s8+s2], $0x80, v2, vm0, $0xb8;
	[tilespmem:$0x10080] =	vst v63  }
0x246: {  	s22 =	simm.s32 $0x2880  }
0x247: {  	[tilespmem:s22], [sflag:$0x1] =	stream.indirect_vreg.gather [hbm4b:s9+s2], $0x80, v2, vm0, $0xb8;
	[tilespmem:$0x10080] =	vst v63  }
0x248: {  	s23 =	simm.s32 $0x3080  }
0x249: {  	[tilespmem:s23], [sflag:$0x1] =	stream.indirect_vreg.gather [hbm4b:s10+s2], $0x80, v2, vm0, $0xb8;
	[tilespmem:$0x10080] =	vst v63  }
0x24a: {  	s25 =	simm.s32 $0x3880  }
0x24b: {  	[tilespmem:s25], [sflag:$0x1] =	stream.indirect_vreg.gather [hbm4b:s11+s2], $0x80, v2, vm0, $0xb8;
	[tilespmem:$0x10080] =	vst v63  }
0x24c: {  	s22 =	simm.s32 $0x4080  }
0x24d: {  	[tilespmem:s22], [sflag:$0x1] =	stream.indirect_vreg.gather [hbm4b:s12+s2], $0x80, v2, vm0, $0xb8;
	[tilespmem:$0x10080] =	vst v63  }
0x24e: {  	s23 =	simm.s32 $0x4880  }
0x24f: {  	[tilespmem:s23], [sflag:$0x1] =	stream.indirect_vreg.gather [hbm4b:s13+s2], $0x80, v2, vm0, $0xb8;
	[tilespmem:$0x10080] =	vst v63  }
0x250: {  	s25 =	simm.s32 $0x5080  }
0x251: {  	[tilespmem:s25], [sflag:$0x1] =	stream.indirect_vreg.gather [hbm4b:s14+s2], $0x80, v2, vm0, $0xb8;
	[tilespmem:$0x10080] =	vst v63  }
0x252: {  	s22 =	simm.s32 $0x5880  }
0x253: {  	[tilespmem:s22], [sflag:$0x1] =	stream.indirect_vreg.gather [hbm4b:s15+s2], $0x80, v2, vm0, $0xb8;
	[tilespmem:$0x10080] =	vst v63  }
0x254: {  	s23 =	simm.s32 $0x6080  }
0x255: {  	[tilespmem:s23], [sflag:$0x1] =	stream.indirect_vreg.gather [hbm4b:s16+s2], $0x80, v2, vm0, $0xb8;
	[tilespmem:$0x10080] =	vst v63  }
0x256: {  	s25 =	simm.s32 $0x6880  }
0x257: {  	[tilespmem:s25], [sflag:$0x1] =	stream.indirect_vreg.gather [hbm4b:s17+s2], $0x80, v2, vm0, $0xb8;
	[tilespmem:$0x10080] =	vst v63  }
0x258: {  	s22 =	simm.s32 $0x7080  }
0x259: {  	[tilespmem:s22], [sflag:$0x1] =	stream.indirect_vreg.gather [hbm4b:s18+s2], $0x80, v2, vm0, $0xb8;
	[tilespmem:$0x10080] =	vst v63  }
0x25a: {  	s26 =	simm.s32 $0x7880  }
0x25b: {  	[tilespmem:s26], [sflag:$0x1] =	stream.indirect_vreg.gather [hbm4b:s19+s2], $0x80, v2, vm0, $0xb8;
	[tilespmem:$0x10080] =	vst v63  }
0x25c: {  	s23 =	rddreg [dreg:$0xe]  }
0x25d: {  	[hbm4b:s23+s2] =	stream.linear.scatter [tilespmem:s1], [sflag:$0x3], $0x8000, $0x38;
	[tilespmem:$0x10080] =	vst v63  }
0x25e: {  	_ =	swait.ge [sflag:s21], $0x8000  }
0x25f: {  	[sflag:s21] =	ssyncset.done $0x0  }
0x260: {  	[sflag:s21] =	ssyncadd.s32 $0xFFFF8000  }
0x261: {  	_ =	swait.ge [sflag:s28], $0x8000  }
0x262: {  	[sflag:s28] =	ssyncset.done $0x0  }
0x263: {  	[sflag:s28] =	ssyncadd.s32 $0xFFFF8000  }
0x264: {  	v2 =	vld.msk [tilespmem:$0x68], $0xff;
	_ =	sdelay $0x4  }
0x265: {  	v3 =	vshll.u32 v2, $0x5  }
0x266: {  	v2 =	vand.u32 $0x7, v2;
	v3 =	vand.u32 $0xFFFFFF00, v3  }
0x267: {  	v2 =	vor.u32 v2, v3  }
0x268: {  	v2 =	vperm.xlane v2, v0;
	_ =	sdelay $0x1  }
0x269: {  	v2 =	vadd.s32 v1, v2;
	_ =	sdelay $0x4  }
0x26a: {  	[tilespmem:s1], [sflag:$0x2] =	stream.indirect_vreg.gather [hbm4b:s3+s2], $0x80, v2, vm0, $0xb8;
	[tilespmem:$0x10080] =	vst v63  }
0x26b: {  	_ = 	snop  }
0x26c: {  	[tilespmem:s4], [sflag:$0x2] =	stream.indirect_vreg.gather [hbm4b:s5+s2], $0x80, v2, vm0, $0xb8;
	[tilespmem:$0x10080] =	vst v63  }
0x26d: {  	s30 =	simm.s32 $0x9080  }
0x26e: {  	[tilespmem:s30], [sflag:$0x2] =	stream.indirect_vreg.gather [hbm4b:s6+s2], $0x80, v2, vm0, $0xb8;
	[tilespmem:$0x10080] =	vst v63  }
0x26f: {  	s31 =	simm.s32 $0x9880  }
0x270: {  	[tilespmem:s31], [sflag:$0x2] =	stream.indirect_vreg.gather [hbm4b:s7+s2], $0x80, v2, vm0, $0xb8;
	[tilespmem:$0x10080] =	vst v63  }
0x271: {  	s31 =	simm.s32 $0xA080  }
0x272: {  	[tilespmem:s31], [sflag:$0x2] =	stream.indirect_vreg.gather [hbm4b:s8+s2], $0x80, v2, vm0, $0xb8;
	[tilespmem:$0x10080] =	vst v63  }
0x273: {  	s22 =	simm.s32 $0xA880  }
0x274: {  	[tilespmem:s22], [sflag:$0x2] =	stream.indirect_vreg.gather [hbm4b:s9+s2], $0x80, v2, vm0, $0xb8;
	[tilespmem:$0x10080] =	vst v63  }
0x275: {  	s23 =	simm.s32 $0xB080  }
0x276: {  	[tilespmem:s23], [sflag:$0x2] =	stream.indirect_vreg.gather [hbm4b:s10+s2], $0x80, v2, vm0, $0xb8;
	[tilespmem:$0x10080] =	vst v63  }
0x277: {  	s25 =	simm.s32 $0xB880  }
0x278: {  	[tilespmem:s25], [sflag:$0x2] =	stream.indirect_vreg.gather [hbm4b:s11+s2], $0x80, v2, vm0, $0xb8;
	[tilespmem:$0x10080] =	vst v63  }
0x279: {  	s26 =	simm.s32 $0xC080  }
0x27a: {  	[tilespmem:s26], [sflag:$0x2] =	stream.indirect_vreg.gather [hbm4b:s12+s2], $0x80, v2, vm0, $0xb8;
	[tilespmem:$0x10080] =	vst v63  }
0x27b: {  	s30 =	simm.s32 $0xC880  }
0x27c: {  	[tilespmem:s30], [sflag:$0x2] =	stream.indirect_vreg.gather [hbm4b:s13+s2], $0x80, v2, vm0, $0xb8;
	[tilespmem:$0x10080] =	vst v63  }
0x27d: {  	s31 =	simm.s32 $0xD080  }
0x27e: {  	[tilespmem:s31], [sflag:$0x2] =	stream.indirect_vreg.gather [hbm4b:s14+s2], $0x80, v2, vm0, $0xb8;
	[tilespmem:$0x10080] =	vst v63  }
0x27f: {  	s22 =	simm.s32 $0xD880  }
0x280: {  	[tilespmem:s22], [sflag:$0x2] =	stream.indirect_vreg.gather [hbm4b:s15+s2], $0x80, v2, vm0, $0xb8;
	[tilespmem:$0x10080] =	vst v63  }
0x281: {  	s23 =	simm.s32 $0xE080  }
0x282: {  	[tilespmem:s23], [sflag:$0x2] =	stream.indirect_vreg.gather [hbm4b:s16+s2], $0x80, v2, vm0, $0xb8;
	[tilespmem:$0x10080] =	vst v63  }
0x283: {  	s25 =	simm.s32 $0xE880  }
0x284: {  	[tilespmem:s25], [sflag:$0x2] =	stream.indirect_vreg.gather [hbm4b:s17+s2], $0x80, v2, vm0, $0xb8;
	[tilespmem:$0x10080] =	vst v63  }
0x285: {  	s26 =	simm.s32 $0xF080  }
0x286: {  	[tilespmem:s26], [sflag:$0x2] =	stream.indirect_vreg.gather [hbm4b:s18+s2], $0x80, v2, vm0, $0xb8;
	[tilespmem:$0x10080] =	vst v63  }
0x287: {  	s29 =	simm.s32 $0xF880  }
0x288: {  	[tilespmem:s29], [sflag:$0x2] =	stream.indirect_vreg.gather [hbm4b:s19+s2], $0x80, v2, vm0, $0xb8;
	[tilespmem:$0x10080] =	vst v63  }
0x289: {  	s20 =	simm.s32 $0x80;
	s30 =	rddreg [dreg:$0xf]  }
0x28a: {  	[hbm4b:s30+s2] =	stream.linear.scatter [tilespmem:s20], [sflag:$0x3], $0x8000, $0x38;
	[tilespmem:$0x10080] =	vst v63  }
0x28b: {  	s0 =	rddreg [dreg:$0x12];
	_ =	swait.ge [sflag:s21], $0x8000  }
0x28c: {  	[sflag:s21] =	ssyncset.done $0x0  }
0x28d: {  	[sflag:s21] =	ssyncadd.s32 $0xFFFF8000  }
0x28e: {  	_ =	swait.ge [sflag:s24], $0x8000  }
0x28f: {  	p0 =	sne.s32 s0, $0x1;
	[sflag:s24] =	ssyncset.done $0x0  }
.Ltmp0:
0x290: {  	s31 =	rddreg [dreg:$0x10];
	[sflag:s24] =	ssyncadd.s32 $0xFFFF8000;
	(pc) =	sbr.rel @p0 .LBB2_1-.Ltmp0, $4  }
0x291: {  	[hbm4b:s31+s2] =	stream.linear.scatter [tilespmem:s1], [sflag:$0x3], $0x8000, $0x38;
	[tilespmem:$0x10080] =	vst v63  }
0x292: {  	_ =	swait.ge [sflag:s21], $0x8000  }
0x293: {  	[sflag:s21] =	ssyncset.done $0x0  }
0x294: {  	s0 =	sadd.s32 $0xFFFFFFFF, s0;
	[sflag:s21] =	ssyncadd.s32 $0xFFFF8000  }
0x295: {  	_ =	sfence.sel $0x180000  }
0x296: {  	[bflag:$0x0] =	sbarrier.arrive $0xFFFF  }
0x297: {  	_ =	strace $0x90000047  }
0x298: {  	s0 =	stileid.u32;
	[bflag:$0x2] =	sbarrier.arrive $0xFFFF  }
0x299: {  	p0 =	sne.s32 s0, $0x0;
	s0 =	rddreg [dreg:$0x2]  }
0x29a: {  	s0 =	sadd.s32 @!p0 $0x100000, s0  }
0x29b: {  	[sflag:s0] =	ssyncadd.tile.s32 @!p0 $0x1;
	_ =	shalt  }
.Lfunc_end2:
_tile_overlayer_lowered:
.L_overlay_start_2:
0x29c: {  	(tag) =	ssettag $0x2  }
0x29d: {  	s0 =	rddreg [dreg:$0x0];
	s2 =	stileid.u32  }
0x29e: {  	s1 =	rddreg [dreg:$0x1];
	p0 =	sne.s32 s2, $0x0  }
0x29f: {  	s3 =	rddreg [dreg:$0x2];
	[bflag:$0x3] =	sbarrier.arrive $0xFFFF;
	s2 =	simm.s32 @!p0 $0x1C03  }
0x2a0: {  	[timem:s3], [sflag:s2] =	dma.local @!p0 [hbm:s0], s1  }
0x2a1: {  	s0 =	simm.s32 @!p0 $0x3  }
0x2a2: {  	_ =	swait.ge @!p0 [sflag:s0], s1  }
0x2a3: {  	s1 =	ssub.s32 @!p0 $0x0, s1;
	[sflag:s0] =	ssyncset.done @!p0 $0x0  }
0x2a4: {  	[sflag:s0] =	ssyncadd.s32 @!p0 s1  }
0x2a5: {  	[bflag:$0x3] =	sbarrier.arrive $0xFFFF  }
0x2a6: {  	_ =	shalt  }

</sc_bundles>
